<compile_context>
chip_gen: v7x
topology: tpu7x:2x2x1
jax: 0.10.2.dev20260603
libtpu: 0.0.44.dev20260713+nightly
codegen_flags: <defaults>
</compile_context>

<pallas_src>
import jax
import jax.numpy as jnp
from jax import lax
from jax.experimental import pallas as pl
from jax.experimental.pallas import tpu as pltpu
from jax.experimental.pallas import tpu_sc as plsc

_MASK = 1_000_000
_NIDS = 100_000
_NSUB = 16
_NCORE = 2
_SHARE = _NIDS // _NSUB
_WIN = 6_272
_CH = 128
_N_CH = 49
_NW = 1 << 17
_HW = _NW // 2
_WSL = _HW // _NSUB
_WSL2 = _WSL // 2


def _scatter_body(ids_hbm, out_hbm, half, idx_v, sidx, sval, zbuf,
                  stage_a, stage_b, sem_i, sem_z, sem_s):
    c = lax.axis_index("c")
    s = lax.axis_index("s")
    wbase = c * _HW
    skew = (s * _SHARE) & 7
    start = pl.multiple_of(s * _SHARE - skew, 8)

    idx_dma = pltpu.async_copy(ids_hbm.at[pl.ds(start, _WIN - 16)],
                               idx_v.at[pl.ds(0, _WIN - 16)], sem_i)

    zvec = jnp.zeros((16,), jnp.int32)

    @pl.loop(0, _WSL // 16)
    def _(i):
        zbuf[pl.ds(i * 16, 16)] = zvec

    zero_dma = pltpu.async_copy(zbuf, half.at[pl.ds(s * _WSL, _WSL)], sem_z)
    zero_dma.wait()
    plsc.subcore_barrier()
    idx_dma.wait()

    iota16 = lax.iota(jnp.int32, 16)

    def fire(jc):
        pltpu.async_copy(sval.at[jc], half.at[sidx.at[jc]], sem_s, add=True)

    def transform(jc, k, lo_mask, hi_mask):
        v = idx_v[pl.ds(jc * _CH + k * 16, 16)]
        inr = (v >= 0) & (((v >> 16) & 1) == c)
        if lo_mask or hi_mask:
            pos = jc * _CH + k * 16 + iota16
            if lo_mask:
                inr &= pos >= skew
            if hi_mask:
                inr &= pos < skew + _SHARE
        val = jnp.where(inr, 1 << (((v >> 17) & 7) << 2), 0)
        sidx[jc, pl.ds(k * 16, 16)] = v & (_HW - 1)
        sval[jc, pl.ds(k * 16, 16)] = val

    for k in range(_CH // 16):
        transform(0, k, True, False)
    fire(0)

    @pl.loop(1, _N_CH - 1)
    def _(jc):
        for k in range(_CH // 16):
            transform(jc, k, False, False)
        fire(jc)

    for k in range(_CH // 16):
        transform(_N_CH - 1, k, False, True)
    fire(_N_CH - 1)

    @pl.loop(0, _N_CH)
    def _(jc):
        pltpu.make_async_copy(sval.at[jc], half.at[sidx.at[jc]], sem_s).wait()

    plsc.subcore_barrier()

    d_a = pltpu.async_copy(half.at[pl.ds(s * _WSL, _WSL2)], stage_a, sem_z)
    d_b = pltpu.async_copy(half.at[pl.ds(s * _WSL + _WSL2, _WSL2)], stage_b,
                           sem_i)
    d_a.wait()
    o_a = pltpu.async_copy(stage_a, out_hbm.at[pl.ds(wbase + s * _WSL, _WSL2)],
                           sem_z)
    d_b.wait()
    o_b = pltpu.async_copy(stage_b,
                           out_hbm.at[pl.ds(wbase + s * _WSL + _WSL2, _WSL2)],
                           sem_i)
    o_a.wait()
    o_b.wait()


def kernel(in_ids, size_tensor):
    assert size_tensor.shape[0] == _MASK and in_ids.shape[0] == _NIDS
    ids = in_ids.astype(jnp.int32)

    mesh = plsc.VectorSubcoreMesh(core_axis_name="c", subcore_axis_name="s",
                                  num_cores=_NCORE, num_subcores=_NSUB)
    run = pl.kernel(
        _scatter_body,
        out_type=jax.ShapeDtypeStruct((_NW,), jnp.int32),
        mesh=mesh,
        compiler_params=pltpu.CompilerParams(needs_layout_passes=False),
        scratch_types=[
            pltpu.VMEM_SHARED((_HW,), jnp.int32),
            pltpu.VMEM((_WIN,), jnp.int32),
            pltpu.VMEM((_N_CH, _CH), jnp.int32),
            pltpu.VMEM((_N_CH, _CH), jnp.int32),
            pltpu.VMEM((_WSL,), jnp.int32),
            pltpu.VMEM((_WSL2,), jnp.int32),
            pltpu.VMEM((_WSL2,), jnp.int32),
            pltpu.SemaphoreType.DMA,
            pltpu.SemaphoreType.DMA,
            pltpu.SemaphoreType.DMA,
        ],
    )
    w = run(ids)
    planes = [((w >> (4 * p)) & 0xF) != 0 for p in range(8)]
    planes[7] = planes[7][: _MASK - 7 * _NW]
    return jnp.concatenate(planes)

# --- scband reference (transcript-rebuilt; emitter-appended) ---
"""Pipeline reference for scband-ids-to-mask-32109175504925 (READ-ONLY COPY).

The authoritative reference and input builder live on the scoring server;
editing this copy changes nothing except your own understanding.
"""

import jax, jax.numpy as jnp
import numpy as np


def setup_inputs(seed: int = 0) -> dict:
    key = jax.random.key(seed)
    k1, k2 = jax.random.split(key)
    in_ids = jax.random.randint(k1, (100000,), 0, 1000000, dtype=jnp.int64)
    size_tensor = jax.random.normal(k2, (1000000,), dtype=jnp.float32)
    return {"in_ids": in_ids, "size_tensor": size_tensor}


def reference(in_ids, size_tensor):
    # Faithful translation of IdsToMask.forward:
    #   out_mask = zeros(mask_size, bool); out_mask[in_ids] = True
    mask_size = size_tensor.shape[0]
    out_mask = jnp.zeros((mask_size,), dtype=jnp.bool_)
    out_mask = out_mask.at[in_ids].set(True)
    return out_mask

if __name__ == "__main__":
    import jax
    _d = setup_inputs()
    print(jax.jit(kernel)(*tuple(_d.values())))

</pallas_src>

<mosaic_0001>
#map = affine_map<(d0, d1) -> (0)>
module attributes {stable_mosaic.version = 14 : i64} {
  func.func @_scatter_body(%arg0: i32, %arg1: i32, %arg2: memref<100000xi32, #tpu.memory_space<hbm>>, %arg3: memref<131072xi32, #tpu.memory_space<hbm>>, %arg4: memref<65536xi32, #tpu.memory_space<vmem_shared>>, %arg5: memref<6272xi32, #tpu.memory_space<vmem>>, %arg6: memref<49x128xi32, #tpu.memory_space<vmem>>, %arg7: memref<49x128xi32, #tpu.memory_space<vmem>>, %arg8: memref<4096xi32, #tpu.memory_space<vmem>>, %arg9: memref<2048xi32, #tpu.memory_space<vmem>>, %arg10: memref<2048xi32, #tpu.memory_space<vmem>>, %arg11: memref<!tpu.dma_semaphore, #tpu.memory_space<semaphore_mem>>, %arg12: memref<!tpu.dma_semaphore, #tpu.memory_space<semaphore_mem>>, %arg13: memref<!tpu.dma_semaphore, #tpu.memory_space<semaphore_mem>>) attributes {dimension_semantics = [#tpu.dimension_semantics<core_parallel>, #tpu.dimension_semantics<subcore_parallel>], iteration_bounds = array<i64: 2, 16>, scalar_prefetch = 0 : i64, scratch_operands = 10 : i64, tpu.core_type = #tpu.core_type<sc_vector_subcore>, window_params = [{transform_indices = #map}, {transform_indices = #map}]} {
    %mul3A = arith.constant 65536 : i32
    %mul3A_0 = arith.muli %arg0, %mul3A : i32
    %mul3A_1 = arith.constant 6250 : i32
    %mul3A_2 = arith.muli %arg1, %mul3A_1 : i32
    %and3A = arith.constant 7 : i32
    %and3A_3 = arith.andi %mul3A_2, %and3A : i32
    %mul3A_4 = arith.constant 6250 : i32
    %mul3A_5 = arith.muli %arg1, %mul3A_4 : i32
    %sub3A = arith.subi %mul3A_5, %and3A_3 : i32
    %multiple_of3A = tpu.assume_multiple %sub3A, 8 : i32
    %dma_start3A = arith.constant 0 : i32
    %dma_start3A_6 = tpu.memref_slice %arg5[%dma_start3A] : memref<6272xi32, #tpu.memory_space<vmem>> -> memref<6256xi32, #tpu.memory_space<vmem>>
    %dma_start3A_7 = tpu.memref_slice %arg2[%multiple_of3A] : memref<100000xi32, #tpu.memory_space<hbm>> -> memref<6256xi32, #tpu.memory_space<hbm>>
    %dma_start3A_8 = arith.constant 0 : i32
    %dma_start3A_9 = tpu.memref_slice %arg5[%dma_start3A_8] : memref<6272xi32, #tpu.memory_space<vmem>> -> memref<6256xi32, #tpu.memory_space<vmem>>
    %dma_start3A_10 = tpu.memref_slice %arg2[%multiple_of3A] : memref<100000xi32, #tpu.memory_space<hbm>> -> memref<6256xi32, #tpu.memory_space<hbm>>
    tpu.enqueue_dma source(%dma_start3A_10 : memref<6256xi32, #tpu.memory_space<hbm>>) target(%dma_start3A_9 : memref<6256xi32, #tpu.memory_space<vmem>>) target_semaphore(%arg11 : memref<!tpu.dma_semaphore, #tpu.memory_space<semaphore_mem>>)
    %broadcast_in_dim3A = arith.constant 0 : i32
    %broadcast_in_dim3A_11 = vector.broadcast %broadcast_in_dim3A : i32 to vector<16xi32>
    %scan3A = arith.constant 0 : i32
    %scan3A_12 = arith.constant 256 : i32
    %scan3A_13 = arith.addi %scan3A, %scan3A_12 : i32
    %scan3A_14 = arith.constant 1 : i32
    scf.for %scan3A_830 = %scan3A to %scan3A_13 step %scan3A_14  : i32 {
      %mul3A_831 = arith.constant 1 : i32
      %mul3A_832 = arith.muli %scan3A_830, %mul3A_831 : i32
      %add3A_833 = arith.constant 0 : i32
      %add3A_834 = arith.addi %add3A_833, %mul3A_832 : i32
      %mul3A_835 = arith.constant 16 : i32
      %mul3A_836 = arith.muli %add3A_834, %mul3A_835 : i32
      %swap3A_837 = arith.index_cast %mul3A_836 : i32 to index
      %swap3A_838 = tpu.vector_load %arg8[%swap3A_837] {strides = array<i32>} : memref<4096xi32, #tpu.memory_space<vmem>>, vector<16xi32>,
      tpu.vector_store %arg8[%swap3A_837], %broadcast_in_dim3A_11 {strides = array<i32>} : memref<4096xi32, #tpu.memory_space<vmem>>, vector<16xi32>,
    }
    %scan3A_15 = arith.constant 256 : i32
    %mul3A_16 = arith.constant 4096 : i32
    %mul3A_17 = arith.muli %arg1, %mul3A_16 : i32
    %dma_start3A_18 = tpu.memref_slice %arg4[%mul3A_17] : memref<65536xi32, #tpu.memory_space<vmem_shared>> -> memref<4096xi32, #tpu.memory_space<vmem_shared>>
    %dma_start3A_19 = tpu.memref_slice %arg4[%mul3A_17] : memref<65536xi32, #tpu.memory_space<vmem_shared>> -> memref<4096xi32, #tpu.memory_space<vmem_shared>>
    tpu.enqueue_dma source(%arg8 : memref<4096xi32, #tpu.memory_space<vmem>>) target(%dma_start3A_19 : memref<4096xi32, #tpu.memory_space<vmem_shared>>) target_semaphore(%arg12 : memref<!tpu.dma_semaphore, #tpu.memory_space<semaphore_mem>>)
    %dma_wait3A = tpu.memref_slice %arg4[%mul3A_17] : memref<65536xi32, #tpu.memory_space<vmem_shared>> -> memref<4096xi32, #tpu.memory_space<vmem_shared>>
    %dma_wait3A_20 = tpu.memref_slice %arg4[%mul3A_17] : memref<65536xi32, #tpu.memory_space<vmem_shared>> -> memref<4096xi32, #tpu.memory_space<vmem_shared>>
    tpu.wait_dma2 semaphore(%arg12 : memref<!tpu.dma_semaphore, #tpu.memory_space<semaphore_mem>>) src(%arg8 : memref<4096xi32, #tpu.memory_space<vmem>>) dst(%dma_wait3A_20 : memref<4096xi32, #tpu.memory_space<vmem_shared>>)
    %barrier3A = arith.constant 0 : index
    tpu.barrier barrier_id(%barrier3A)
    %dma_wait3A_21 = arith.constant 0 : i32
    %dma_wait3A_22 = tpu.memref_slice %arg5[%dma_wait3A_21] : memref<6272xi32, #tpu.memory_space<vmem>> -> memref<6256xi32, #tpu.memory_space<vmem>>
    %dma_wait3A_23 = tpu.memref_slice %arg2[%multiple_of3A] : memref<100000xi32, #tpu.memory_space<hbm>> -> memref<6256xi32, #tpu.memory_space<hbm>>
    %dma_wait3A_24 = arith.constant 0 : i32
    %dma_wait3A_25 = tpu.memref_slice %arg5[%dma_wait3A_24] : memref<6272xi32, #tpu.memory_space<vmem>> -> memref<6256xi32, #tpu.memory_space<vmem>>
    %dma_wait3A_26 = tpu.memref_slice %arg2[%multiple_of3A] : memref<100000xi32, #tpu.memory_space<hbm>> -> memref<6256xi32, #tpu.memory_space<hbm>>
    tpu.wait_dma2 semaphore(%arg11 : memref<!tpu.dma_semaphore, #tpu.memory_space<semaphore_mem>>) src(%dma_wait3A_26 : memref<6256xi32, #tpu.memory_space<hbm>>) dst(%dma_wait3A_25 : memref<6256xi32, #tpu.memory_space<vmem>>)
    %iota3A = tpu.iota {dimensions = array<i32: 0>} : vector<16xi32>
    %get3A = arith.constant 0 : index
    %get3A_27 = tpu.vector_load %arg5[%get3A] {strides = array<i32>} : memref<6272xi32, #tpu.memory_space<vmem>>, vector<16xi32>,
    %ge3A = arith.constant 0 : i32
    %ge3A_28 = vector.broadcast %ge3A : i32 to vector<16xi32>
    %ge3A_29 = arith.cmpi sge, %get3A_27, %ge3A_28 : vector<16xi32>
    %shift_right_arithmetic3A = arith.constant 16 : i32
    %shift_right_arithmetic3A_30 = vector.broadcast %shift_right_arithmetic3A : i32 to vector<16xi32>
    %shift_right_arithmetic3A_31 = arith.shrsi %get3A_27, %shift_right_arithmetic3A_30 : vector<16xi32>
    %and3A_32 = arith.constant 1 : i32
    %and3A_33 = vector.broadcast %and3A_32 : i32 to vector<16xi32>
    %and3A_34 = arith.andi %shift_right_arithmetic3A_31, %and3A_33 : vector<16xi32>
    %eq3A = vector.broadcast %arg0 : i32 to vector<16xi32>
    %eq3A_35 = arith.cmpi eq, %and3A_34, %eq3A : vector<16xi32>
    %and3A_36 = arith.andi %ge3A_29, %eq3A_35 : vector<16xi1>
    %add3A = arith.constant 0 : i32
    %add3A_37 = vector.broadcast %add3A : i32 to vector<16xi32>
    %add3A_38 = arith.addi %add3A_37, %iota3A : vector<16xi32>
    %ge3A_39 = vector.broadcast %and3A_3 : i32 to vector<16xi32>
    %ge3A_40 = arith.cmpi sge, %add3A_38, %ge3A_39 : vector<16xi32>
    %and3A_41 = arith.andi %and3A_36, %ge3A_40 : vector<16xi1>
    %shift_right_arithmetic3A_42 = arith.constant 17 : i32
    %shift_right_arithmetic3A_43 = vector.broadcast %shift_right_arithmetic3A_42 : i32 to vector<16xi32>
    %shift_right_arithmetic3A_44 = arith.shrsi %get3A_27, %shift_right_arithmetic3A_43 : vector<16xi32>
    %and3A_45 = arith.constant 7 : i32
    %and3A_46 = vector.broadcast %and3A_45 : i32 to vector<16xi32>
    %and3A_47 = arith.andi %shift_right_arithmetic3A_44, %and3A_46 : vector<16xi32>
    %shift_left3A = arith.constant 2 : i32
    %shift_left3A_48 = vector.broadcast %shift_left3A : i32 to vector<16xi32>
    %shift_left3A_49 = arith.shli %and3A_47, %shift_left3A_48 : vector<16xi32>
    %shift_left3A_50 = arith.constant 1 : i32
    %shift_left3A_51 = vector.broadcast %shift_left3A_50 : i32 to vector<16xi32>
    %shift_left3A_52 = arith.shli %shift_left3A_51, %shift_left3A_49 : vector<16xi32>
    %jit3A = arith.constant 0 : i32
    %broadcast_in_dim3A_53 = vector.broadcast %jit3A : i32 to vector<16xi32>
    %select_n3A = arith.select %and3A_41, %shift_left3A_52, %broadcast_in_dim3A_53 : vector<16xi1>, vector<16xi32>
    %and3A_54 = arith.constant 65535 : i32
    %and3A_55 = vector.broadcast %and3A_54 : i32 to vector<16xi32>
    %and3A_56 = arith.andi %get3A_27, %and3A_55 : vector<16xi32>
    %swap3A = arith.constant 0 : i32
    %swap3A_57 = arith.index_cast %swap3A : i32 to index
    %swap3A_58 = arith.constant 0 : index
    %swap3A_59 = tpu.vector_load %arg6[%swap3A_57, %swap3A_58] {strides = array<i32>} : memref<49x128xi32, #tpu.memory_space<vmem>>, vector<16xi32>,
    tpu.vector_store %arg6[%swap3A_57, %swap3A_58], %and3A_56 {strides = array<i32>} : memref<49x128xi32, #tpu.memory_space<vmem>>, vector<16xi32>,
    %swap3A_60 = arith.constant 0 : i32
    %swap3A_61 = arith.index_cast %swap3A_60 : i32 to index
    %swap3A_62 = arith.constant 0 : index
    %swap3A_63 = tpu.vector_load %arg7[%swap3A_61, %swap3A_62] {strides = array<i32>} : memref<49x128xi32, #tpu.memory_space<vmem>>, vector<16xi32>,
    tpu.vector_store %arg7[%swap3A_61, %swap3A_62], %select_n3A {strides = array<i32>} : memref<49x128xi32, #tpu.memory_space<vmem>>, vector<16xi32>,
    %get3A_64 = arith.constant 16 : index
    %get3A_65 = tpu.vector_load %arg5[%get3A_64] {strides = array<i32>} : memref<6272xi32, #tpu.memory_space<vmem>>, vector<16xi32>,
    %ge3A_66 = arith.constant 0 : i32
    %ge3A_67 = vector.broadcast %ge3A_66 : i32 to vector<16xi32>
    %ge3A_68 = arith.cmpi sge, %get3A_65, %ge3A_67 : vector<16xi32>
    %shift_right_arithmetic3A_69 = arith.constant 16 : i32
    %shift_right_arithmetic3A_70 = vector.broadcast %shift_right_arithmetic3A_69 : i32 to vector<16xi32>
    %shift_right_arithmetic3A_71 = arith.shrsi %get3A_65, %shift_right_arithmetic3A_70 : vector<16xi32>
    %and3A_72 = arith.constant 1 : i32
    %and3A_73 = vector.broadcast %and3A_72 : i32 to vector<16xi32>
    %and3A_74 = arith.andi %shift_right_arithmetic3A_71, %and3A_73 : vector<16xi32>
    %eq3A_75 = vector.broadcast %arg0 : i32 to vector<16xi32>
    %eq3A_76 = arith.cmpi eq, %and3A_74, %eq3A_75 : vector<16xi32>
    %and3A_77 = arith.andi %ge3A_68, %eq3A_76 : vector<16xi1>
    %add3A_78 = arith.constant 16 : i32
    %add3A_79 = vector.broadcast %add3A_78 : i32 to vector<16xi32>
    %add3A_80 = arith.addi %add3A_79, %iota3A : vector<16xi32>
    %ge3A_81 = vector.broadcast %and3A_3 : i32 to vector<16xi32>
    %ge3A_82 = arith.cmpi sge, %add3A_80, %ge3A_81 : vector<16xi32>
    %and3A_83 = arith.andi %and3A_77, %ge3A_82 : vector<16xi1>
    %shift_right_arithmetic3A_84 = arith.constant 17 : i32
    %shift_right_arithmetic3A_85 = vector.broadcast %shift_right_arithmetic3A_84 : i32 to vector<16xi32>
    %shift_right_arithmetic3A_86 = arith.shrsi %get3A_65, %shift_right_arithmetic3A_85 : vector<16xi32>
    %and3A_87 = arith.constant 7 : i32
    %and3A_88 = vector.broadcast %and3A_87 : i32 to vector<16xi32>
    %and3A_89 = arith.andi %shift_right_arithmetic3A_86, %and3A_88 : vector<16xi32>
    %shift_left3A_90 = arith.constant 2 : i32
    %shift_left3A_91 = vector.broadcast %shift_left3A_90 : i32 to vector<16xi32>
    %shift_left3A_92 = arith.shli %and3A_89, %shift_left3A_91 : vector<16xi32>
    %shift_left3A_93 = arith.constant 1 : i32
    %shift_left3A_94 = vector.broadcast %shift_left3A_93 : i32 to vector<16xi32>
    %shift_left3A_95 = arith.shli %shift_left3A_94, %shift_left3A_92 : vector<16xi32>
    %jit3A_96 = arith.constant 0 : i32
    %broadcast_in_dim3A_97 = vector.broadcast %jit3A_96 : i32 to vector<16xi32>
    %select_n3A_98 = arith.select %and3A_83, %shift_left3A_95, %broadcast_in_dim3A_97 : vector<16xi1>, vector<16xi32>
    %and3A_99 = arith.constant 65535 : i32
    %and3A_100 = vector.broadcast %and3A_99 : i32 to vector<16xi32>
    %and3A_101 = arith.andi %get3A_65, %and3A_100 : vector<16xi32>
    %swap3A_102 = arith.constant 0 : i32
    %swap3A_103 = arith.index_cast %swap3A_102 : i32 to index
    %swap3A_104 = arith.constant 16 : index
    %swap3A_105 = tpu.vector_load %arg6[%swap3A_103, %swap3A_104] {strides = array<i32>} : memref<49x128xi32, #tpu.memory_space<vmem>>, vector<16xi32>,
    tpu.vector_store %arg6[%swap3A_103, %swap3A_104], %and3A_101 {strides = array<i32>} : memref<49x128xi32, #tpu.memory_space<vmem>>, vector<16xi32>,
    %swap3A_106 = arith.constant 0 : i32
    %swap3A_107 = arith.index_cast %swap3A_106 : i32 to index
    %swap3A_108 = arith.constant 16 : index
    %swap3A_109 = tpu.vector_load %arg7[%swap3A_107, %swap3A_108] {strides = array<i32>} : memref<49x128xi32, #tpu.memory_space<vmem>>, vector<16xi32>,
    tpu.vector_store %arg7[%swap3A_107, %swap3A_108], %select_n3A_98 {strides = array<i32>} : memref<49x128xi32, #tpu.memory_space<vmem>>, vector<16xi32>,
    %get3A_110 = arith.constant 32 : index
    %get3A_111 = tpu.vector_load %arg5[%get3A_110] {strides = array<i32>} : memref<6272xi32, #tpu.memory_space<vmem>>, vector<16xi32>,
    %ge3A_112 = arith.constant 0 : i32
    %ge3A_113 = vector.broadcast %ge3A_112 : i32 to vector<16xi32>
    %ge3A_114 = arith.cmpi sge, %get3A_111, %ge3A_113 : vector<16xi32>
    %shift_right_arithmetic3A_115 = arith.constant 16 : i32
    %shift_right_arithmetic3A_116 = vector.broadcast %shift_right_arithmetic3A_115 : i32 to vector<16xi32>
    %shift_right_arithmetic3A_117 = arith.shrsi %get3A_111, %shift_right_arithmetic3A_116 : vector<16xi32>
    %and3A_118 = arith.constant 1 : i32
    %and3A_119 = vector.broadcast %and3A_118 : i32 to vector<16xi32>
    %and3A_120 = arith.andi %shift_right_arithmetic3A_117, %and3A_119 : vector<16xi32>
    %eq3A_121 = vector.broadcast %arg0 : i32 to vector<16xi32>
    %eq3A_122 = arith.cmpi eq, %and3A_120, %eq3A_121 : vector<16xi32>
    %and3A_123 = arith.andi %ge3A_114, %eq3A_122 : vector<16xi1>
    %add3A_124 = arith.constant 32 : i32
    %add3A_125 = vector.broadcast %add3A_124 : i32 to vector<16xi32>
    %add3A_126 = arith.addi %add3A_125, %iota3A : vector<16xi32>
    %ge3A_127 = vector.broadcast %and3A_3 : i32 to vector<16xi32>
    %ge3A_128 = arith.cmpi sge, %add3A_126, %ge3A_127 : vector<16xi32>
    %and3A_129 = arith.andi %and3A_123, %ge3A_128 : vector<16xi1>
    %shift_right_arithmetic3A_130 = arith.constant 17 : i32
    %shift_right_arithmetic3A_131 = vector.broadcast %shift_right_arithmetic3A_130 : i32 to vector<16xi32>
    %shift_right_arithmetic3A_132 = arith.shrsi %get3A_111, %shift_right_arithmetic3A_131 : vector<16xi32>
    %and3A_133 = arith.constant 7 : i32
    %and3A_134 = vector.broadcast %and3A_133 : i32 to vector<16xi32>
    %and3A_135 = arith.andi %shift_right_arithmetic3A_132, %and3A_134 : vector<16xi32>
    %shift_left3A_136 = arith.constant 2 : i32
    %shift_left3A_137 = vector.broadcast %shift_left3A_136 : i32 to vector<16xi32>
    %shift_left3A_138 = arith.shli %and3A_135, %shift_left3A_137 : vector<16xi32>
    %shift_left3A_139 = arith.constant 1 : i32
    %shift_left3A_140 = vector.broadcast %shift_left3A_139 : i32 to vector<16xi32>
    %shift_left3A_141 = arith.shli %shift_left3A_140, %shift_left3A_138 : vector<16xi32>
    %jit3A_142 = arith.constant 0 : i32
    %broadcast_in_dim3A_143 = vector.broadcast %jit3A_142 : i32 to vector<16xi32>
    %select_n3A_144 = arith.select %and3A_129, %shift_left3A_141, %broadcast_in_dim3A_143 : vector<16xi1>, vector<16xi32>
    %and3A_145 = arith.constant 65535 : i32
    %and3A_146 = vector.broadcast %and3A_145 : i32 to vector<16xi32>
    %and3A_147 = arith.andi %get3A_111, %and3A_146 : vector<16xi32>
    %swap3A_148 = arith.constant 0 : i32
    %swap3A_149 = arith.index_cast %swap3A_148 : i32 to index
    %swap3A_150 = arith.constant 32 : index
    %swap3A_151 = tpu.vector_load %arg6[%swap3A_149, %swap3A_150] {strides = array<i32>} : memref<49x128xi32, #tpu.memory_space<vmem>>, vector<16xi32>,
    tpu.vector_store %arg6[%swap3A_149, %swap3A_150], %and3A_147 {strides = array<i32>} : memref<49x128xi32, #tpu.memory_space<vmem>>, vector<16xi32>,
    %swap3A_152 = arith.constant 0 : i32
    %swap3A_153 = arith.index_cast %swap3A_152 : i32 to index
    %swap3A_154 = arith.constant 32 : index
    %swap3A_155 = tpu.vector_load %arg7[%swap3A_153, %swap3A_154] {strides = array<i32>} : memref<49x128xi32, #tpu.memory_space<vmem>>, vector<16xi32>,
    tpu.vector_store %arg7[%swap3A_153, %swap3A_154], %select_n3A_144 {strides = array<i32>} : memref<49x128xi32, #tpu.memory_space<vmem>>, vector<16xi32>,
    %get3A_156 = arith.constant 48 : index
    %get3A_157 = tpu.vector_load %arg5[%get3A_156] {strides = array<i32>} : memref<6272xi32, #tpu.memory_space<vmem>>, vector<16xi32>,
    %ge3A_158 = arith.constant 0 : i32
    %ge3A_159 = vector.broadcast %ge3A_158 : i32 to vector<16xi32>
    %ge3A_160 = arith.cmpi sge, %get3A_157, %ge3A_159 : vector<16xi32>
    %shift_right_arithmetic3A_161 = arith.constant 16 : i32
    %shift_right_arithmetic3A_162 = vector.broadcast %shift_right_arithmetic3A_161 : i32 to vector<16xi32>
    %shift_right_arithmetic3A_163 = arith.shrsi %get3A_157, %shift_right_arithmetic3A_162 : vector<16xi32>
    %and3A_164 = arith.constant 1 : i32
    %and3A_165 = vector.broadcast %and3A_164 : i32 to vector<16xi32>
    %and3A_166 = arith.andi %shift_right_arithmetic3A_163, %and3A_165 : vector<16xi32>
    %eq3A_167 = vector.broadcast %arg0 : i32 to vector<16xi32>
    %eq3A_168 = arith.cmpi eq, %and3A_166, %eq3A_167 : vector<16xi32>
    %and3A_169 = arith.andi %ge3A_160, %eq3A_168 : vector<16xi1>
    %add3A_170 = arith.constant 48 : i32
    %add3A_171 = vector.broadcast %add3A_170 : i32 to vector<16xi32>
    %add3A_172 = arith.addi %add3A_171, %iota3A : vector<16xi32>
    %ge3A_173 = vector.broadcast %and3A_3 : i32 to vector<16xi32>
    %ge3A_174 = arith.cmpi sge, %add3A_172, %ge3A_173 : vector<16xi32>
    %and3A_175 = arith.andi %and3A_169, %ge3A_174 : vector<16xi1>
    %shift_right_arithmetic3A_176 = arith.constant 17 : i32
    %shift_right_arithmetic3A_177 = vector.broadcast %shift_right_arithmetic3A_176 : i32 to vector<16xi32>
    %shift_right_arithmetic3A_178 = arith.shrsi %get3A_157, %shift_right_arithmetic3A_177 : vector<16xi32>
    %and3A_179 = arith.constant 7 : i32
    %and3A_180 = vector.broadcast %and3A_179 : i32 to vector<16xi32>
    %and3A_181 = arith.andi %shift_right_arithmetic3A_178, %and3A_180 : vector<16xi32>
    %shift_left3A_182 = arith.constant 2 : i32
    %shift_left3A_183 = vector.broadcast %shift_left3A_182 : i32 to vector<16xi32>
    %shift_left3A_184 = arith.shli %and3A_181, %shift_left3A_183 : vector<16xi32>
    %shift_left3A_185 = arith.constant 1 : i32
    %shift_left3A_186 = vector.broadcast %shift_left3A_185 : i32 to vector<16xi32>
    %shift_left3A_187 = arith.shli %shift_left3A_186, %shift_left3A_184 : vector<16xi32>
    %jit3A_188 = arith.constant 0 : i32
    %broadcast_in_dim3A_189 = vector.broadcast %jit3A_188 : i32 to vector<16xi32>
    %select_n3A_190 = arith.select %and3A_175, %shift_left3A_187, %broadcast_in_dim3A_189 : vector<16xi1>, vector<16xi32>
    %and3A_191 = arith.constant 65535 : i32
    %and3A_192 = vector.broadcast %and3A_191 : i32 to vector<16xi32>
    %and3A_193 = arith.andi %get3A_157, %and3A_192 : vector<16xi32>
    %swap3A_194 = arith.constant 0 : i32
    %swap3A_195 = arith.index_cast %swap3A_194 : i32 to index
    %swap3A_196 = arith.constant 48 : index
    %swap3A_197 = tpu.vector_load %arg6[%swap3A_195, %swap3A_196] {strides = array<i32>} : memref<49x128xi32, #tpu.memory_space<vmem>>, vector<16xi32>,
    tpu.vector_store %arg6[%swap3A_195, %swap3A_196], %and3A_193 {strides = array<i32>} : memref<49x128xi32, #tpu.memory_space<vmem>>, vector<16xi32>,
    %swap3A_198 = arith.constant 0 : i32
    %swap3A_199 = arith.index_cast %swap3A_198 : i32 to index
    %swap3A_200 = arith.constant 48 : index
    %swap3A_201 = tpu.vector_load %arg7[%swap3A_199, %swap3A_200] {strides = array<i32>} : memref<49x128xi32, #tpu.memory_space<vmem>>, vector<16xi32>,
    tpu.vector_store %arg7[%swap3A_199, %swap3A_200], %select_n3A_190 {strides = array<i32>} : memref<49x128xi32, #tpu.memory_space<vmem>>, vector<16xi32>,
    %get3A_202 = arith.constant 64 : index
    %get3A_203 = tpu.vector_load %arg5[%get3A_202] {strides = array<i32>} : memref<6272xi32, #tpu.memory_space<vmem>>, vector<16xi32>,
    %ge3A_204 = arith.constant 0 : i32
    %ge3A_205 = vector.broadcast %ge3A_204 : i32 to vector<16xi32>
    %ge3A_206 = arith.cmpi sge, %get3A_203, %ge3A_205 : vector<16xi32>
    %shift_right_arithmetic3A_207 = arith.constant 16 : i32
    %shift_right_arithmetic3A_208 = vector.broadcast %shift_right_arithmetic3A_207 : i32 to vector<16xi32>
    %shift_right_arithmetic3A_209 = arith.shrsi %get3A_203, %shift_right_arithmetic3A_208 : vector<16xi32>
    %and3A_210 = arith.constant 1 : i32
    %and3A_211 = vector.broadcast %and3A_210 : i32 to vector<16xi32>
    %and3A_212 = arith.andi %shift_right_arithmetic3A_209, %and3A_211 : vector<16xi32>
    %eq3A_213 = vector.broadcast %arg0 : i32 to vector<16xi32>
    %eq3A_214 = arith.cmpi eq, %and3A_212, %eq3A_213 : vector<16xi32>
    %and3A_215 = arith.andi %ge3A_206, %eq3A_214 : vector<16xi1>
    %add3A_216 = arith.constant 64 : i32
    %add3A_217 = vector.broadcast %add3A_216 : i32 to vector<16xi32>
    %add3A_218 = arith.addi %add3A_217, %iota3A : vector<16xi32>
    %ge3A_219 = vector.broadcast %and3A_3 : i32 to vector<16xi32>
    %ge3A_220 = arith.cmpi sge, %add3A_218, %ge3A_219 : vector<16xi32>
    %and3A_221 = arith.andi %and3A_215, %ge3A_220 : vector<16xi1>
    %shift_right_arithmetic3A_222 = arith.constant 17 : i32
    %shift_right_arithmetic3A_223 = vector.broadcast %shift_right_arithmetic3A_222 : i32 to vector<16xi32>
    %shift_right_arithmetic3A_224 = arith.shrsi %get3A_203, %shift_right_arithmetic3A_223 : vector<16xi32>
    %and3A_225 = arith.constant 7 : i32
    %and3A_226 = vector.broadcast %and3A_225 : i32 to vector<16xi32>
    %and3A_227 = arith.andi %shift_right_arithmetic3A_224, %and3A_226 : vector<16xi32>
    %shift_left3A_228 = arith.constant 2 : i32
    %shift_left3A_229 = vector.broadcast %shift_left3A_228 : i32 to vector<16xi32>
    %shift_left3A_230 = arith.shli %and3A_227, %shift_left3A_229 : vector<16xi32>
    %shift_left3A_231 = arith.constant 1 : i32
    %shift_left3A_232 = vector.broadcast %shift_left3A_231 : i32 to vector<16xi32>
    %shift_left3A_233 = arith.shli %shift_left3A_232, %shift_left3A_230 : vector<16xi32>
    %jit3A_234 = arith.constant 0 : i32
    %broadcast_in_dim3A_235 = vector.broadcast %jit3A_234 : i32 to vector<16xi32>
    %select_n3A_236 = arith.select %and3A_221, %shift_left3A_233, %broadcast_in_dim3A_235 : vector<16xi1>, vector<16xi32>
    %and3A_237 = arith.constant 65535 : i32
    %and3A_238 = vector.broadcast %and3A_237 : i32 to vector<16xi32>
    %and3A_239 = arith.andi %get3A_203, %and3A_238 : vector<16xi32>
    %swap3A_240 = arith.constant 0 : i32
    %swap3A_241 = arith.index_cast %swap3A_240 : i32 to index
    %swap3A_242 = arith.constant 64 : index
    %swap3A_243 = tpu.vector_load %arg6[%swap3A_241, %swap3A_242] {strides = array<i32>} : memref<49x128xi32, #tpu.memory_space<vmem>>, vector<16xi32>,
    tpu.vector_store %arg6[%swap3A_241, %swap3A_242], %and3A_239 {strides = array<i32>} : memref<49x128xi32, #tpu.memory_space<vmem>>, vector<16xi32>,
    %swap3A_244 = arith.constant 0 : i32
    %swap3A_245 = arith.index_cast %swap3A_244 : i32 to index
    %swap3A_246 = arith.constant 64 : index
    %swap3A_247 = tpu.vector_load %arg7[%swap3A_245, %swap3A_246] {strides = array<i32>} : memref<49x128xi32, #tpu.memory_space<vmem>>, vector<16xi32>,
    tpu.vector_store %arg7[%swap3A_245, %swap3A_246], %select_n3A_236 {strides = array<i32>} : memref<49x128xi32, #tpu.memory_space<vmem>>, vector<16xi32>,
    %get3A_248 = arith.constant 80 : index
    %get3A_249 = tpu.vector_load %arg5[%get3A_248] {strides = array<i32>} : memref<6272xi32, #tpu.memory_space<vmem>>, vector<16xi32>,
    %ge3A_250 = arith.constant 0 : i32
    %ge3A_251 = vector.broadcast %ge3A_250 : i32 to vector<16xi32>
    %ge3A_252 = arith.cmpi sge, %get3A_249, %ge3A_251 : vector<16xi32>
    %shift_right_arithmetic3A_253 = arith.constant 16 : i32
    %shift_right_arithmetic3A_254 = vector.broadcast %shift_right_arithmetic3A_253 : i32 to vector<16xi32>
    %shift_right_arithmetic3A_255 = arith.shrsi %get3A_249, %shift_right_arithmetic3A_254 : vector<16xi32>
    %and3A_256 = arith.constant 1 : i32
    %and3A_257 = vector.broadcast %and3A_256 : i32 to vector<16xi32>
    %and3A_258 = arith.andi %shift_right_arithmetic3A_255, %and3A_257 : vector<16xi32>
    %eq3A_259 = vector.broadcast %arg0 : i32 to vector<16xi32>
    %eq3A_260 = arith.cmpi eq, %and3A_258, %eq3A_259 : vector<16xi32>
    %and3A_261 = arith.andi %ge3A_252, %eq3A_260 : vector<16xi1>
    %add3A_262 = arith.constant 80 : i32
    %add3A_263 = vector.broadcast %add3A_262 : i32 to vector<16xi32>
    %add3A_264 = arith.addi %add3A_263, %iota3A : vector<16xi32>
    %ge3A_265 = vector.broadcast %and3A_3 : i32 to vector<16xi32>
    %ge3A_266 = arith.cmpi sge, %add3A_264, %ge3A_265 : vector<16xi32>
    %and3A_267 = arith.andi %and3A_261, %ge3A_266 : vector<16xi1>
    %shift_right_arithmetic3A_268 = arith.constant 17 : i32
    %shift_right_arithmetic3A_269 = vector.broadcast %shift_right_arithmetic3A_268 : i32 to vector<16xi32>
    %shift_right_arithmetic3A_270 = arith.shrsi %get3A_249, %shift_right_arithmetic3A_269 : vector<16xi32>
    %and3A_271 = arith.constant 7 : i32
    %and3A_272 = vector.broadcast %and3A_271 : i32 to vector<16xi32>
    %and3A_273 = arith.andi %shift_right_arithmetic3A_270, %and3A_272 : vector<16xi32>
    %shift_left3A_274 = arith.constant 2 : i32
    %shift_left3A_275 = vector.broadcast %shift_left3A_274 : i32 to vector<16xi32>
    %shift_left3A_276 = arith.shli %and3A_273, %shift_left3A_275 : vector<16xi32>
    %shift_left3A_277 = arith.constant 1 : i32
    %shift_left3A_278 = vector.broadcast %shift_left3A_277 : i32 to vector<16xi32>
    %shift_left3A_279 = arith.shli %shift_left3A_278, %shift_left3A_276 : vector<16xi32>
    %jit3A_280 = arith.constant 0 : i32
    %broadcast_in_dim3A_281 = vector.broadcast %jit3A_280 : i32 to vector<16xi32>
    %select_n3A_282 = arith.select %and3A_267, %shift_left3A_279, %broadcast_in_dim3A_281 : vector<16xi1>, vector<16xi32>
    %and3A_283 = arith.constant 65535 : i32
    %and3A_284 = vector.broadcast %and3A_283 : i32 to vector<16xi32>
    %and3A_285 = arith.andi %get3A_249, %and3A_284 : vector<16xi32>
    %swap3A_286 = arith.constant 0 : i32
    %swap3A_287 = arith.index_cast %swap3A_286 : i32 to index
    %swap3A_288 = arith.constant 80 : index
    %swap3A_289 = tpu.vector_load %arg6[%swap3A_287, %swap3A_288] {strides = array<i32>} : memref<49x128xi32, #tpu.memory_space<vmem>>, vector<16xi32>,
    tpu.vector_store %arg6[%swap3A_287, %swap3A_288], %and3A_285 {strides = array<i32>} : memref<49x128xi32, #tpu.memory_space<vmem>>, vector<16xi32>,
    %swap3A_290 = arith.constant 0 : i32
    %swap3A_291 = arith.index_cast %swap3A_290 : i32 to index
    %swap3A_292 = arith.constant 80 : index
    %swap3A_293 = tpu.vector_load %arg7[%swap3A_291, %swap3A_292] {strides = array<i32>} : memref<49x128xi32, #tpu.memory_space<vmem>>, vector<16xi32>,
    tpu.vector_store %arg7[%swap3A_291, %swap3A_292], %select_n3A_282 {strides = array<i32>} : memref<49x128xi32, #tpu.memory_space<vmem>>, vector<16xi32>,
    %get3A_294 = arith.constant 96 : index
    %get3A_295 = tpu.vector_load %arg5[%get3A_294] {strides = array<i32>} : memref<6272xi32, #tpu.memory_space<vmem>>, vector<16xi32>,
    %ge3A_296 = arith.constant 0 : i32
    %ge3A_297 = vector.broadcast %ge3A_296 : i32 to vector<16xi32>
    %ge3A_298 = arith.cmpi sge, %get3A_295, %ge3A_297 : vector<16xi32>
    %shift_right_arithmetic3A_299 = arith.constant 16 : i32
    %shift_right_arithmetic3A_300 = vector.broadcast %shift_right_arithmetic3A_299 : i32 to vector<16xi32>
    %shift_right_arithmetic3A_301 = arith.shrsi %get3A_295, %shift_right_arithmetic3A_300 : vector<16xi32>
    %and3A_302 = arith.constant 1 : i32
    %and3A_303 = vector.broadcast %and3A_302 : i32 to vector<16xi32>
    %and3A_304 = arith.andi %shift_right_arithmetic3A_301, %and3A_303 : vector<16xi32>
    %eq3A_305 = vector.broadcast %arg0 : i32 to vector<16xi32>
    %eq3A_306 = arith.cmpi eq, %and3A_304, %eq3A_305 : vector<16xi32>
    %and3A_307 = arith.andi %ge3A_298, %eq3A_306 : vector<16xi1>
    %add3A_308 = arith.constant 96 : i32
    %add3A_309 = vector.broadcast %add3A_308 : i32 to vector<16xi32>
    %add3A_310 = arith.addi %add3A_309, %iota3A : vector<16xi32>
    %ge3A_311 = vector.broadcast %and3A_3 : i32 to vector<16xi32>
    %ge3A_312 = arith.cmpi sge, %add3A_310, %ge3A_311 : vector<16xi32>
    %and3A_313 = arith.andi %and3A_307, %ge3A_312 : vector<16xi1>
    %shift_right_arithmetic3A_314 = arith.constant 17 : i32
    %shift_right_arithmetic3A_315 = vector.broadcast %shift_right_arithmetic3A_314 : i32 to vector<16xi32>
    %shift_right_arithmetic3A_316 = arith.shrsi %get3A_295, %shift_right_arithmetic3A_315 : vector<16xi32>
    %and3A_317 = arith.constant 7 : i32
    %and3A_318 = vector.broadcast %and3A_317 : i32 to vector<16xi32>
    %and3A_319 = arith.andi %shift_right_arithmetic3A_316, %and3A_318 : vector<16xi32>
    %shift_left3A_320 = arith.constant 2 : i32
    %shift_left3A_321 = vector.broadcast %shift_left3A_320 : i32 to vector<16xi32>
    %shift_left3A_322 = arith.shli %and3A_319, %shift_left3A_321 : vector<16xi32>
    %shift_left3A_323 = arith.constant 1 : i32
    %shift_left3A_324 = vector.broadcast %shift_left3A_323 : i32 to vector<16xi32>
    %shift_left3A_325 = arith.shli %shift_left3A_324, %shift_left3A_322 : vector<16xi32>
    %jit3A_326 = arith.constant 0 : i32
    %broadcast_in_dim3A_327 = vector.broadcast %jit3A_326 : i32 to vector<16xi32>
    %select_n3A_328 = arith.select %and3A_313, %shift_left3A_325, %broadcast_in_dim3A_327 : vector<16xi1>, vector<16xi32>
    %and3A_329 = arith.constant 65535 : i32
    %and3A_330 = vector.broadcast %and3A_329 : i32 to vector<16xi32>
    %and3A_331 = arith.andi %get3A_295, %and3A_330 : vector<16xi32>
    %swap3A_332 = arith.constant 0 : i32
    %swap3A_333 = arith.index_cast %swap3A_332 : i32 to index
    %swap3A_334 = arith.constant 96 : index
    %swap3A_335 = tpu.vector_load %arg6[%swap3A_333, %swap3A_334] {strides = array<i32>} : memref<49x128xi32, #tpu.memory_space<vmem>>, vector<16xi32>,
    tpu.vector_store %arg6[%swap3A_333, %swap3A_334], %and3A_331 {strides = array<i32>} : memref<49x128xi32, #tpu.memory_space<vmem>>, vector<16xi32>,
    %swap3A_336 = arith.constant 0 : i32
    %swap3A_337 = arith.index_cast %swap3A_336 : i32 to index
    %swap3A_338 = arith.constant 96 : index
    %swap3A_339 = tpu.vector_load %arg7[%swap3A_337, %swap3A_338] {strides = array<i32>} : memref<49x128xi32, #tpu.memory_space<vmem>>, vector<16xi32>,
    tpu.vector_store %arg7[%swap3A_337, %swap3A_338], %select_n3A_328 {strides = array<i32>} : memref<49x128xi32, #tpu.memory_space<vmem>>, vector<16xi32>,
    %get3A_340 = arith.constant 112 : index
    %get3A_341 = tpu.vector_load %arg5[%get3A_340] {strides = array<i32>} : memref<6272xi32, #tpu.memory_space<vmem>>, vector<16xi32>,
    %ge3A_342 = arith.constant 0 : i32
    %ge3A_343 = vector.broadcast %ge3A_342 : i32 to vector<16xi32>
    %ge3A_344 = arith.cmpi sge, %get3A_341, %ge3A_343 : vector<16xi32>
    %shift_right_arithmetic3A_345 = arith.constant 16 : i32
    %shift_right_arithmetic3A_346 = vector.broadcast %shift_right_arithmetic3A_345 : i32 to vector<16xi32>
    %shift_right_arithmetic3A_347 = arith.shrsi %get3A_341, %shift_right_arithmetic3A_346 : vector<16xi32>
    %and3A_348 = arith.constant 1 : i32
    %and3A_349 = vector.broadcast %and3A_348 : i32 to vector<16xi32>
    %and3A_350 = arith.andi %shift_right_arithmetic3A_347, %and3A_349 : vector<16xi32>
    %eq3A_351 = vector.broadcast %arg0 : i32 to vector<16xi32>
    %eq3A_352 = arith.cmpi eq, %and3A_350, %eq3A_351 : vector<16xi32>
    %and3A_353 = arith.andi %ge3A_344, %eq3A_352 : vector<16xi1>
    %add3A_354 = arith.constant 112 : i32
    %add3A_355 = vector.broadcast %add3A_354 : i32 to vector<16xi32>
    %add3A_356 = arith.addi %add3A_355, %iota3A : vector<16xi32>
    %ge3A_357 = vector.broadcast %and3A_3 : i32 to vector<16xi32>
    %ge3A_358 = arith.cmpi sge, %add3A_356, %ge3A_357 : vector<16xi32>
    %and3A_359 = arith.andi %and3A_353, %ge3A_358 : vector<16xi1>
    %shift_right_arithmetic3A_360 = arith.constant 17 : i32
    %shift_right_arithmetic3A_361 = vector.broadcast %shift_right_arithmetic3A_360 : i32 to vector<16xi32>
    %shift_right_arithmetic3A_362 = arith.shrsi %get3A_341, %shift_right_arithmetic3A_361 : vector<16xi32>
    %and3A_363 = arith.constant 7 : i32
    %and3A_364 = vector.broadcast %and3A_363 : i32 to vector<16xi32>
    %and3A_365 = arith.andi %shift_right_arithmetic3A_362, %and3A_364 : vector<16xi32>
    %shift_left3A_366 = arith.constant 2 : i32
    %shift_left3A_367 = vector.broadcast %shift_left3A_366 : i32 to vector<16xi32>
    %shift_left3A_368 = arith.shli %and3A_365, %shift_left3A_367 : vector<16xi32>
    %shift_left3A_369 = arith.constant 1 : i32
    %shift_left3A_370 = vector.broadcast %shift_left3A_369 : i32 to vector<16xi32>
    %shift_left3A_371 = arith.shli %shift_left3A_370, %shift_left3A_368 : vector<16xi32>
    %jit3A_372 = arith.constant 0 : i32
    %broadcast_in_dim3A_373 = vector.broadcast %jit3A_372 : i32 to vector<16xi32>
    %select_n3A_374 = arith.select %and3A_359, %shift_left3A_371, %broadcast_in_dim3A_373 : vector<16xi1>, vector<16xi32>
    %and3A_375 = arith.constant 65535 : i32
    %and3A_376 = vector.broadcast %and3A_375 : i32 to vector<16xi32>
    %and3A_377 = arith.andi %get3A_341, %and3A_376 : vector<16xi32>
    %swap3A_378 = arith.constant 0 : i32
    %swap3A_379 = arith.index_cast %swap3A_378 : i32 to index
    %swap3A_380 = arith.constant 112 : index
    %swap3A_381 = tpu.vector_load %arg6[%swap3A_379, %swap3A_380] {strides = array<i32>} : memref<49x128xi32, #tpu.memory_space<vmem>>, vector<16xi32>,
    tpu.vector_store %arg6[%swap3A_379, %swap3A_380], %and3A_377 {strides = array<i32>} : memref<49x128xi32, #tpu.memory_space<vmem>>, vector<16xi32>,
    %swap3A_382 = arith.constant 0 : i32
    %swap3A_383 = arith.index_cast %swap3A_382 : i32 to index
    %swap3A_384 = arith.constant 112 : index
    %swap3A_385 = tpu.vector_load %arg7[%swap3A_383, %swap3A_384] {strides = array<i32>} : memref<49x128xi32, #tpu.memory_space<vmem>>, vector<16xi32>,
    tpu.vector_store %arg7[%swap3A_383, %swap3A_384], %select_n3A_374 {strides = array<i32>} : memref<49x128xi32, #tpu.memory_space<vmem>>, vector<16xi32>,
    %dma_start3A_386 = arith.constant 0 : i32
    %dma_start3A_387 = arith.constant 0 : i32
    %dma_start3A_388 = arith.constant 0 : i32
    %dma_start3A_389 = tpu.memref_slice %arg7[%dma_start3A_386, %dma_start3A_388] : memref<49x128xi32, #tpu.memory_space<vmem>> -> memref<1x128xi32, #tpu.memory_space<vmem>>
    %dma_start3A_390 = tpu.memref_squeeze %dma_start3A_389 : memref<1x128xi32, #tpu.memory_space<vmem>> -> memref<128xi32, #tpu.memory_space<vmem>>
    %dma_start3A_391 = arith.constant 0 : i32
    %dma_start3A_392 = tpu.memref_slice %arg6[%dma_start3A_387, %dma_start3A_391] : memref<49x128xi32, #tpu.memory_space<vmem>> -> memref<1x128xi32, #tpu.memory_space<vmem>>
    %dma_start3A_393 = tpu.memref_squeeze %dma_start3A_392 : memref<1x128xi32, #tpu.memory_space<vmem>> -> memref<128xi32, #tpu.memory_space<vmem>>
    %dma_start3A_394 = arith.constant 0 : i32
    %dma_start3A_395 = tpu.memref_slice %arg4[%dma_start3A_394] : memref<65536xi32, #tpu.memory_space<vmem_shared>> -> memref<65536xi32, #tpu.memory_space<vmem_shared>>
    tpu.enqueue_indirect_dma source(%dma_start3A_390 : memref<128xi32, #tpu.memory_space<vmem>>) target(%dma_start3A_395 : memref<65536xi32, #tpu.memory_space<vmem_shared>>) offsets(%dma_start3A_393 : memref<128xi32, #tpu.memory_space<vmem>>) semaphore(%arg13 : memref<!tpu.dma_semaphore, #tpu.memory_space<semaphore_mem>>) {add = true}
    %scan3A_396 = arith.constant 0 : i32
    %scan3A_397 = arith.constant 47 : i32
    %scan3A_398 = arith.addi %scan3A_396, %scan3A_397 : i32
    %scan3A_399 = arith.constant 1 : i32
    scf.for %scan3A_830 = %scan3A_396 to %scan3A_398 step %scan3A_399  : i32 {
      %mul3A_831 = arith.constant 1 : i32
      %mul3A_832 = arith.muli %scan3A_830, %mul3A_831 : i32
      %add3A_833 = arith.constant 1 : i32
      %add3A_834 = arith.addi %add3A_833, %mul3A_832 : i32
      %mul3A_835 = arith.constant 128 : i32
      %mul3A_836 = arith.muli %add3A_834, %mul3A_835 : i32
      %add3A_837 = arith.constant 0 : i32
      %add3A_838 = arith.addi %mul3A_836, %add3A_837 : i32
      %get3A_839 = arith.index_cast %add3A_838 : i32 to index
      %get3A_840 = tpu.vector_load %arg5[%get3A_839] {strides = array<i32>} : memref<6272xi32, #tpu.memory_space<vmem>>, vector<16xi32>,
      %ge3A_841 = arith.constant 0 : i32
      %ge3A_842 = vector.broadcast %ge3A_841 : i32 to vector<16xi32>
      %ge3A_843 = arith.cmpi sge, %get3A_840, %ge3A_842 : vector<16xi32>
      %shift_right_arithmetic3A_844 = arith.constant 16 : i32
      %shift_right_arithmetic3A_845 = vector.broadcast %shift_right_arithmetic3A_844 : i32 to vector<16xi32>
      %shift_right_arithmetic3A_846 = arith.shrsi %get3A_840, %shift_right_arithmetic3A_845 : vector<16xi32>
      %and3A_847 = arith.constant 1 : i32
      %and3A_848 = vector.broadcast %and3A_847 : i32 to vector<16xi32>
      %and3A_849 = arith.andi %shift_right_arithmetic3A_846, %and3A_848 : vector<16xi32>
      %eq3A_850 = vector.broadcast %arg0 : i32 to vector<16xi32>
      %eq3A_851 = arith.cmpi eq, %and3A_849, %eq3A_850 : vector<16xi32>
      %and3A_852 = arith.andi %ge3A_843, %eq3A_851 : vector<16xi1>
      %shift_right_arithmetic3A_853 = arith.constant 17 : i32
      %shift_right_arithmetic3A_854 = vector.broadcast %shift_right_arithmetic3A_853 : i32 to vector<16xi32>
      %shift_right_arithmetic3A_855 = arith.shrsi %get3A_840, %shift_right_arithmetic3A_854 : vector<16xi32>
      %and3A_856 = arith.constant 7 : i32
      %and3A_857 = vector.broadcast %and3A_856 : i32 to vector<16xi32>
      %and3A_858 = arith.andi %shift_right_arithmetic3A_855, %and3A_857 : vector<16xi32>
      %shift_left3A_859 = arith.constant 2 : i32
      %shift_left3A_860 = vector.broadcast %shift_left3A_859 : i32 to vector<16xi32>
      %shift_left3A_861 = arith.shli %and3A_858, %shift_left3A_860 : vector<16xi32>
      %shift_left3A_862 = arith.constant 1 : i32
      %shift_left3A_863 = vector.broadcast %shift_left3A_862 : i32 to vector<16xi32>
      %shift_left3A_864 = arith.shli %shift_left3A_863, %shift_left3A_861 : vector<16xi32>
      %jit3A_865 = arith.constant 0 : i32
      %broadcast_in_dim3A_866 = vector.broadcast %jit3A_865 : i32 to vector<16xi32>
      %select_n3A_867 = arith.select %and3A_852, %shift_left3A_864, %broadcast_in_dim3A_866 : vector<16xi1>, vector<16xi32>
      %and3A_868 = arith.constant 65535 : i32
      %and3A_869 = vector.broadcast %and3A_868 : i32 to vector<16xi32>
      %and3A_870 = arith.andi %get3A_840, %and3A_869 : vector<16xi32>
      %swap3A_871 = arith.index_cast %add3A_834 : i32 to index
      %swap3A_872 = arith.constant 0 : index
      %swap3A_873 = tpu.vector_load %arg6[%swap3A_871, %swap3A_872] {strides = array<i32>} : memref<49x128xi32, #tpu.memory_space<vmem>>, vector<16xi32>,
      tpu.vector_store %arg6[%swap3A_871, %swap3A_872], %and3A_870 {strides = array<i32>} : memref<49x128xi32, #tpu.memory_space<vmem>>, vector<16xi32>,
      %swap3A_874 = arith.index_cast %add3A_834 : i32 to index
      %swap3A_875 = arith.constant 0 : index
      %swap3A_876 = tpu.vector_load %arg7[%swap3A_874, %swap3A_875] {strides = array<i32>} : memref<49x128xi32, #tpu.memory_space<vmem>>, vector<16xi32>,
      tpu.vector_store %arg7[%swap3A_874, %swap3A_875], %select_n3A_867 {strides = array<i32>} : memref<49x128xi32, #tpu.memory_space<vmem>>, vector<16xi32>,
      %mul3A_877 = arith.constant 128 : i32
      %mul3A_878 = arith.muli %add3A_834, %mul3A_877 : i32
      %add3A_879 = arith.constant 16 : i32
      %add3A_880 = arith.addi %mul3A_878, %add3A_879 : i32
      %get3A_881 = arith.index_cast %add3A_880 : i32 to index
      %get3A_882 = tpu.vector_load %arg5[%get3A_881] {strides = array<i32>} : memref<6272xi32, #tpu.memory_space<vmem>>, vector<16xi32>,
      %ge3A_883 = arith.constant 0 : i32
      %ge3A_884 = vector.broadcast %ge3A_883 : i32 to vector<16xi32>
      %ge3A_885 = arith.cmpi sge, %get3A_882, %ge3A_884 : vector<16xi32>
      %shift_right_arithmetic3A_886 = arith.constant 16 : i32
      %shift_right_arithmetic3A_887 = vector.broadcast %shift_right_arithmetic3A_886 : i32 to vector<16xi32>
      %shift_right_arithmetic3A_888 = arith.shrsi %get3A_882, %shift_right_arithmetic3A_887 : vector<16xi32>
      %and3A_889 = arith.constant 1 : i32
      %and3A_890 = vector.broadcast %and3A_889 : i32 to vector<16xi32>
      %and3A_891 = arith.andi %shift_right_arithmetic3A_888, %and3A_890 : vector<16xi32>
      %eq3A_892 = vector.broadcast %arg0 : i32 to vector<16xi32>
      %eq3A_893 = arith.cmpi eq, %and3A_891, %eq3A_892 : vector<16xi32>
      %and3A_894 = arith.andi %ge3A_885, %eq3A_893 : vector<16xi1>
      %shift_right_arithmetic3A_895 = arith.constant 17 : i32
      %shift_right_arithmetic3A_896 = vector.broadcast %shift_right_arithmetic3A_895 : i32 to vector<16xi32>
      %shift_right_arithmetic3A_897 = arith.shrsi %get3A_882, %shift_right_arithmetic3A_896 : vector<16xi32>
      %and3A_898 = arith.constant 7 : i32
      %and3A_899 = vector.broadcast %and3A_898 : i32 to vector<16xi32>
      %and3A_900 = arith.andi %shift_right_arithmetic3A_897, %and3A_899 : vector<16xi32>
      %shift_left3A_901 = arith.constant 2 : i32
      %shift_left3A_902 = vector.broadcast %shift_left3A_901 : i32 to vector<16xi32>
      %shift_left3A_903 = arith.shli %and3A_900, %shift_left3A_902 : vector<16xi32>
      %shift_left3A_904 = arith.constant 1 : i32
      %shift_left3A_905 = vector.broadcast %shift_left3A_904 : i32 to vector<16xi32>
      %shift_left3A_906 = arith.shli %shift_left3A_905, %shift_left3A_903 : vector<16xi32>
      %jit3A_907 = arith.constant 0 : i32
      %broadcast_in_dim3A_908 = vector.broadcast %jit3A_907 : i32 to vector<16xi32>
      %select_n3A_909 = arith.select %and3A_894, %shift_left3A_906, %broadcast_in_dim3A_908 : vector<16xi1>, vector<16xi32>
      %and3A_910 = arith.constant 65535 : i32
      %and3A_911 = vector.broadcast %and3A_910 : i32 to vector<16xi32>
      %and3A_912 = arith.andi %get3A_882, %and3A_911 : vector<16xi32>
      %swap3A_913 = arith.index_cast %add3A_834 : i32 to index
      %swap3A_914 = arith.constant 16 : index
      %swap3A_915 = tpu.vector_load %arg6[%swap3A_913, %swap3A_914] {strides = array<i32>} : memref<49x128xi32, #tpu.memory_space<vmem>>, vector<16xi32>,
      tpu.vector_store %arg6[%swap3A_913, %swap3A_914], %and3A_912 {strides = array<i32>} : memref<49x128xi32, #tpu.memory_space<vmem>>, vector<16xi32>,
      %swap3A_916 = arith.index_cast %add3A_834 : i32 to index
      %swap3A_917 = arith.constant 16 : index
      %swap3A_918 = tpu.vector_load %arg7[%swap3A_916, %swap3A_917] {strides = array<i32>} : memref<49x128xi32, #tpu.memory_space<vmem>>, vector<16xi32>,
      tpu.vector_store %arg7[%swap3A_916, %swap3A_917], %select_n3A_909 {strides = array<i32>} : memref<49x128xi32, #tpu.memory_space<vmem>>, vector<16xi32>,
      %mul3A_919 = arith.constant 128 : i32
      %mul3A_920 = arith.muli %add3A_834, %mul3A_919 : i32
      %add3A_921 = arith.constant 32 : i32
      %add3A_922 = arith.addi %mul3A_920, %add3A_921 : i32
      %get3A_923 = arith.index_cast %add3A_922 : i32 to index
      %get3A_924 = tpu.vector_load %arg5[%get3A_923] {strides = array<i32>} : memref<6272xi32, #tpu.memory_space<vmem>>, vector<16xi32>,
      %ge3A_925 = arith.constant 0 : i32
      %ge3A_926 = vector.broadcast %ge3A_925 : i32 to vector<16xi32>
      %ge3A_927 = arith.cmpi sge, %get3A_924, %ge3A_926 : vector<16xi32>
      %shift_right_arithmetic3A_928 = arith.constant 16 : i32
      %shift_right_arithmetic3A_929 = vector.broadcast %shift_right_arithmetic3A_928 : i32 to vector<16xi32>
      %shift_right_arithmetic3A_930 = arith.shrsi %get3A_924, %shift_right_arithmetic3A_929 : vector<16xi32>
      %and3A_931 = arith.constant 1 : i32
      %and3A_932 = vector.broadcast %and3A_931 : i32 to vector<16xi32>
      %and3A_933 = arith.andi %shift_right_arithmetic3A_930, %and3A_932 : vector<16xi32>
      %eq3A_934 = vector.broadcast %arg0 : i32 to vector<16xi32>
      %eq3A_935 = arith.cmpi eq, %and3A_933, %eq3A_934 : vector<16xi32>
      %and3A_936 = arith.andi %ge3A_927, %eq3A_935 : vector<16xi1>
      %shift_right_arithmetic3A_937 = arith.constant 17 : i32
      %shift_right_arithmetic3A_938 = vector.broadcast %shift_right_arithmetic3A_937 : i32 to vector<16xi32>
      %shift_right_arithmetic3A_939 = arith.shrsi %get3A_924, %shift_right_arithmetic3A_938 : vector<16xi32>
      %and3A_940 = arith.constant 7 : i32
      %and3A_941 = vector.broadcast %and3A_940 : i32 to vector<16xi32>
      %and3A_942 = arith.andi %shift_right_arithmetic3A_939, %and3A_941 : vector<16xi32>
      %shift_left3A_943 = arith.constant 2 : i32
      %shift_left3A_944 = vector.broadcast %shift_left3A_943 : i32 to vector<16xi32>
      %shift_left3A_945 = arith.shli %and3A_942, %shift_left3A_944 : vector<16xi32>
      %shift_left3A_946 = arith.constant 1 : i32
      %shift_left3A_947 = vector.broadcast %shift_left3A_946 : i32 to vector<16xi32>
      %shift_left3A_948 = arith.shli %shift_left3A_947, %shift_left3A_945 : vector<16xi32>
      %jit3A_949 = arith.constant 0 : i32
      %broadcast_in_dim3A_950 = vector.broadcast %jit3A_949 : i32 to vector<16xi32>
      %select_n3A_951 = arith.select %and3A_936, %shift_left3A_948, %broadcast_in_dim3A_950 : vector<16xi1>, vector<16xi32>
      %and3A_952 = arith.constant 65535 : i32
      %and3A_953 = vector.broadcast %and3A_952 : i32 to vector<16xi32>
      %and3A_954 = arith.andi %get3A_924, %and3A_953 : vector<16xi32>
      %swap3A_955 = arith.index_cast %add3A_834 : i32 to index
      %swap3A_956 = arith.constant 32 : index
      %swap3A_957 = tpu.vector_load %arg6[%swap3A_955, %swap3A_956] {strides = array<i32>} : memref<49x128xi32, #tpu.memory_space<vmem>>, vector<16xi32>,
      tpu.vector_store %arg6[%swap3A_955, %swap3A_956], %and3A_954 {strides = array<i32>} : memref<49x128xi32, #tpu.memory_space<vmem>>, vector<16xi32>,
      %swap3A_958 = arith.index_cast %add3A_834 : i32 to index
      %swap3A_959 = arith.constant 32 : index
      %swap3A_960 = tpu.vector_load %arg7[%swap3A_958, %swap3A_959] {strides = array<i32>} : memref<49x128xi32, #tpu.memory_space<vmem>>, vector<16xi32>,
      tpu.vector_store %arg7[%swap3A_958, %swap3A_959], %select_n3A_951 {strides = array<i32>} : memref<49x128xi32, #tpu.memory_space<vmem>>, vector<16xi32>,
      %mul3A_961 = arith.constant 128 : i32
      %mul3A_962 = arith.muli %add3A_834, %mul3A_961 : i32
      %add3A_963 = arith.constant 48 : i32
      %add3A_964 = arith.addi %mul3A_962, %add3A_963 : i32
      %get3A_965 = arith.index_cast %add3A_964 : i32 to index
      %get3A_966 = tpu.vector_load %arg5[%get3A_965] {strides = array<i32>} : memref<6272xi32, #tpu.memory_space<vmem>>, vector<16xi32>,
      %ge3A_967 = arith.constant 0 : i32
      %ge3A_968 = vector.broadcast %ge3A_967 : i32 to vector<16xi32>
      %ge3A_969 = arith.cmpi sge, %get3A_966, %ge3A_968 : vector<16xi32>
      %shift_right_arithmetic3A_970 = arith.constant 16 : i32
      %shift_right_arithmetic3A_971 = vector.broadcast %shift_right_arithmetic3A_970 : i32 to vector<16xi32>
      %shift_right_arithmetic3A_972 = arith.shrsi %get3A_966, %shift_right_arithmetic3A_971 : vector<16xi32>
      %and3A_973 = arith.constant 1 : i32
      %and3A_974 = vector.broadcast %and3A_973 : i32 to vector<16xi32>
      %and3A_975 = arith.andi %shift_right_arithmetic3A_972, %and3A_974 : vector<16xi32>
      %eq3A_976 = vector.broadcast %arg0 : i32 to vector<16xi32>
      %eq3A_977 = arith.cmpi eq, %and3A_975, %eq3A_976 : vector<16xi32>
      %and3A_978 = arith.andi %ge3A_969, %eq3A_977 : vector<16xi1>
      %shift_right_arithmetic3A_979 = arith.constant 17 : i32
      %shift_right_arithmetic3A_980 = vector.broadcast %shift_right_arithmetic3A_979 : i32 to vector<16xi32>
      %shift_right_arithmetic3A_981 = arith.shrsi %get3A_966, %shift_right_arithmetic3A_980 : vector<16xi32>
      %and3A_982 = arith.constant 7 : i32
      %and3A_983 = vector.broadcast %and3A_982 : i32 to vector<16xi32>
      %and3A_984 = arith.andi %shift_right_arithmetic3A_981, %and3A_983 : vector<16xi32>
      %shift_left3A_985 = arith.constant 2 : i32
      %shift_left3A_986 = vector.broadcast %shift_left3A_985 : i32 to vector<16xi32>
      %shift_left3A_987 = arith.shli %and3A_984, %shift_left3A_986 : vector<16xi32>
      %shift_left3A_988 = arith.constant 1 : i32
      %shift_left3A_989 = vector.broadcast %shift_left3A_988 : i32 to vector<16xi32>
      %shift_left3A_990 = arith.shli %shift_left3A_989, %shift_left3A_987 : vector<16xi32>
      %jit3A_991 = arith.constant 0 : i32
      %broadcast_in_dim3A_992 = vector.broadcast %jit3A_991 : i32 to vector<16xi32>
      %select_n3A_993 = arith.select %and3A_978, %shift_left3A_990, %broadcast_in_dim3A_992 : vector<16xi1>, vector<16xi32>
      %and3A_994 = arith.constant 65535 : i32
      %and3A_995 = vector.broadcast %and3A_994 : i32 to vector<16xi32>
      %and3A_996 = arith.andi %get3A_966, %and3A_995 : vector<16xi32>
      %swap3A_997 = arith.index_cast %add3A_834 : i32 to index
      %swap3A_998 = arith.constant 48 : index
      %swap3A_999 = tpu.vector_load %arg6[%swap3A_997, %swap3A_998] {strides = array<i32>} : memref<49x128xi32, #tpu.memory_space<vmem>>, vector<16xi32>,
      tpu.vector_store %arg6[%swap3A_997, %swap3A_998], %and3A_996 {strides = array<i32>} : memref<49x128xi32, #tpu.memory_space<vmem>>, vector<16xi32>,
      %swap3A_1000 = arith.index_cast %add3A_834 : i32 to index
      %swap3A_1001 = arith.constant 48 : index
      %swap3A_1002 = tpu.vector_load %arg7[%swap3A_1000, %swap3A_1001] {strides = array<i32>} : memref<49x128xi32, #tpu.memory_space<vmem>>, vector<16xi32>,
      tpu.vector_store %arg7[%swap3A_1000, %swap3A_1001], %select_n3A_993 {strides = array<i32>} : memref<49x128xi32, #tpu.memory_space<vmem>>, vector<16xi32>,
      %mul3A_1003 = arith.constant 128 : i32
      %mul3A_1004 = arith.muli %add3A_834, %mul3A_1003 : i32
      %add3A_1005 = arith.constant 64 : i32
      %add3A_1006 = arith.addi %mul3A_1004, %add3A_1005 : i32
      %get3A_1007 = arith.index_cast %add3A_1006 : i32 to index
      %get3A_1008 = tpu.vector_load %arg5[%get3A_1007] {strides = array<i32>} : memref<6272xi32, #tpu.memory_space<vmem>>, vector<16xi32>,
      %ge3A_1009 = arith.constant 0 : i32
      %ge3A_1010 = vector.broadcast %ge3A_1009 : i32 to vector<16xi32>
      %ge3A_1011 = arith.cmpi sge, %get3A_1008, %ge3A_1010 : vector<16xi32>
      %shift_right_arithmetic3A_1012 = arith.constant 16 : i32
      %shift_right_arithmetic3A_1013 = vector.broadcast %shift_right_arithmetic3A_1012 : i32 to vector<16xi32>
      %shift_right_arithmetic3A_1014 = arith.shrsi %get3A_1008, %shift_right_arithmetic3A_1013 : vector<16xi32>
      %and3A_1015 = arith.constant 1 : i32
      %and3A_1016 = vector.broadcast %and3A_1015 : i32 to vector<16xi32>
      %and3A_1017 = arith.andi %shift_right_arithmetic3A_1014, %and3A_1016 : vector<16xi32>
      %eq3A_1018 = vector.broadcast %arg0 : i32 to vector<16xi32>
      %eq3A_1019 = arith.cmpi eq, %and3A_1017, %eq3A_1018 : vector<16xi32>
      %and3A_1020 = arith.andi %ge3A_1011, %eq3A_1019 : vector<16xi1>
      %shift_right_arithmetic3A_1021 = arith.constant 17 : i32
      %shift_right_arithmetic3A_1022 = vector.broadcast %shift_right_arithmetic3A_1021 : i32 to vector<16xi32>
      %shift_right_arithmetic3A_1023 = arith.shrsi %get3A_1008, %shift_right_arithmetic3A_1022 : vector<16xi32>
      %and3A_1024 = arith.constant 7 : i32
      %and3A_1025 = vector.broadcast %and3A_1024 : i32 to vector<16xi32>
      %and3A_1026 = arith.andi %shift_right_arithmetic3A_1023, %and3A_1025 : vector<16xi32>
      %shift_left3A_1027 = arith.constant 2 : i32
      %shift_left3A_1028 = vector.broadcast %shift_left3A_1027 : i32 to vector<16xi32>
      %shift_left3A_1029 = arith.shli %and3A_1026, %shift_left3A_1028 : vector<16xi32>
      %shift_left3A_1030 = arith.constant 1 : i32
      %shift_left3A_1031 = vector.broadcast %shift_left3A_1030 : i32 to vector<16xi32>
      %shift_left3A_1032 = arith.shli %shift_left3A_1031, %shift_left3A_1029 : vector<16xi32>
      %jit3A_1033 = arith.constant 0 : i32
      %broadcast_in_dim3A_1034 = vector.broadcast %jit3A_1033 : i32 to vector<16xi32>
      %select_n3A_1035 = arith.select %and3A_1020, %shift_left3A_1032, %broadcast_in_dim3A_1034 : vector<16xi1>, vector<16xi32>
      %and3A_1036 = arith.constant 65535 : i32
      %and3A_1037 = vector.broadcast %and3A_1036 : i32 to vector<16xi32>
      %and3A_1038 = arith.andi %get3A_1008, %and3A_1037 : vector<16xi32>
      %swap3A_1039 = arith.index_cast %add3A_834 : i32 to index
      %swap3A_1040 = arith.constant 64 : index
      %swap3A_1041 = tpu.vector_load %arg6[%swap3A_1039, %swap3A_1040] {strides = array<i32>} : memref<49x128xi32, #tpu.memory_space<vmem>>, vector<16xi32>,
      tpu.vector_store %arg6[%swap3A_1039, %swap3A_1040], %and3A_1038 {strides = array<i32>} : memref<49x128xi32, #tpu.memory_space<vmem>>, vector<16xi32>,
      %swap3A_1042 = arith.index_cast %add3A_834 : i32 to index
      %swap3A_1043 = arith.constant 64 : index
      %swap3A_1044 = tpu.vector_load %arg7[%swap3A_1042, %swap3A_1043] {strides = array<i32>} : memref<49x128xi32, #tpu.memory_space<vmem>>, vector<16xi32>,
      tpu.vector_store %arg7[%swap3A_1042, %swap3A_1043], %select_n3A_1035 {strides = array<i32>} : memref<49x128xi32, #tpu.memory_space<vmem>>, vector<16xi32>,
      %mul3A_1045 = arith.constant 128 : i32
      %mul3A_1046 = arith.muli %add3A_834, %mul3A_1045 : i32
      %add3A_1047 = arith.constant 80 : i32
      %add3A_1048 = arith.addi %mul3A_1046, %add3A_1047 : i32
      %get3A_1049 = arith.index_cast %add3A_1048 : i32 to index
      %get3A_1050 = tpu.vector_load %arg5[%get3A_1049] {strides = array<i32>} : memref<6272xi32, #tpu.memory_space<vmem>>, vector<16xi32>,
      %ge3A_1051 = arith.constant 0 : i32
      %ge3A_1052 = vector.broadcast %ge3A_1051 : i32 to vector<16xi32>
      %ge3A_1053 = arith.cmpi sge, %get3A_1050, %ge3A_1052 : vector<16xi32>
      %shift_right_arithmetic3A_1054 = arith.constant 16 : i32
      %shift_right_arithmetic3A_1055 = vector.broadcast %shift_right_arithmetic3A_1054 : i32 to vector<16xi32>
      %shift_right_arithmetic3A_1056 = arith.shrsi %get3A_1050, %shift_right_arithmetic3A_1055 : vector<16xi32>
      %and3A_1057 = arith.constant 1 : i32
      %and3A_1058 = vector.broadcast %and3A_1057 : i32 to vector<16xi32>
      %and3A_1059 = arith.andi %shift_right_arithmetic3A_1056, %and3A_1058 : vector<16xi32>
      %eq3A_1060 = vector.broadcast %arg0 : i32 to vector<16xi32>
      %eq3A_1061 = arith.cmpi eq, %and3A_1059, %eq3A_1060 : vector<16xi32>
      %and3A_1062 = arith.andi %ge3A_1053, %eq3A_1061 : vector<16xi1>
      %shift_right_arithmetic3A_1063 = arith.constant 17 : i32
      %shift_right_arithmetic3A_1064 = vector.broadcast %shift_right_arithmetic3A_1063 : i32 to vector<16xi32>
      %shift_right_arithmetic3A_1065 = arith.shrsi %get3A_1050, %shift_right_arithmetic3A_1064 : vector<16xi32>
      %and3A_1066 = arith.constant 7 : i32
      %and3A_1067 = vector.broadcast %and3A_1066 : i32 to vector<16xi32>
      %and3A_1068 = arith.andi %shift_right_arithmetic3A_1065, %and3A_1067 : vector<16xi32>
      %shift_left3A_1069 = arith.constant 2 : i32
      %shift_left3A_1070 = vector.broadcast %shift_left3A_1069 : i32 to vector<16xi32>
      %shift_left3A_1071 = arith.shli %and3A_1068, %shift_left3A_1070 : vector<16xi32>
      %shift_left3A_1072 = arith.constant 1 : i32
      %shift_left3A_1073 = vector.broadcast %shift_left3A_1072 : i32 to vector<16xi32>
      %shift_left3A_1074 = arith.shli %shift_left3A_1073, %shift_left3A_1071 : vector<16xi32>
      %jit3A_1075 = arith.constant 0 : i32
      %broadcast_in_dim3A_1076 = vector.broadcast %jit3A_1075 : i32 to vector<16xi32>
      %select_n3A_1077 = arith.select %and3A_1062, %shift_left3A_1074, %broadcast_in_dim3A_1076 : vector<16xi1>, vector<16xi32>
      %and3A_1078 = arith.constant 65535 : i32
      %and3A_1079 = vector.broadcast %and3A_1078 : i32 to vector<16xi32>
      %and3A_1080 = arith.andi %get3A_1050, %and3A_1079 : vector<16xi32>
      %swap3A_1081 = arith.index_cast %add3A_834 : i32 to index
      %swap3A_1082 = arith.constant 80 : index
      %swap3A_1083 = tpu.vector_load %arg6[%swap3A_1081, %swap3A_1082] {strides = array<i32>} : memref<49x128xi32, #tpu.memory_space<vmem>>, vector<16xi32>,
      tpu.vector_store %arg6[%swap3A_1081, %swap3A_1082], %and3A_1080 {strides = array<i32>} : memref<49x128xi32, #tpu.memory_space<vmem>>, vector<16xi32>,
      %swap3A_1084 = arith.index_cast %add3A_834 : i32 to index
      %swap3A_1085 = arith.constant 80 : index
      %swap3A_1086 = tpu.vector_load %arg7[%swap3A_1084, %swap3A_1085] {strides = array<i32>} : memref<49x128xi32, #tpu.memory_space<vmem>>, vector<16xi32>,
      tpu.vector_store %arg7[%swap3A_1084, %swap3A_1085], %select_n3A_1077 {strides = array<i32>} : memref<49x128xi32, #tpu.memory_space<vmem>>, vector<16xi32>,
      %mul3A_1087 = arith.constant 128 : i32
      %mul3A_1088 = arith.muli %add3A_834, %mul3A_1087 : i32
      %add3A_1089 = arith.constant 96 : i32
      %add3A_1090 = arith.addi %mul3A_1088, %add3A_1089 : i32
      %get3A_1091 = arith.index_cast %add3A_1090 : i32 to index
      %get3A_1092 = tpu.vector_load %arg5[%get3A_1091] {strides = array<i32>} : memref<6272xi32, #tpu.memory_space<vmem>>, vector<16xi32>,
      %ge3A_1093 = arith.constant 0 : i32
      %ge3A_1094 = vector.broadcast %ge3A_1093 : i32 to vector<16xi32>
      %ge3A_1095 = arith.cmpi sge, %get3A_1092, %ge3A_1094 : vector<16xi32>
      %shift_right_arithmetic3A_1096 = arith.constant 16 : i32
      %shift_right_arithmetic3A_1097 = vector.broadcast %shift_right_arithmetic3A_1096 : i32 to vector<16xi32>
      %shift_right_arithmetic3A_1098 = arith.shrsi %get3A_1092, %shift_right_arithmetic3A_1097 : vector<16xi32>
      %and3A_1099 = arith.constant 1 : i32
      %and3A_1100 = vector.broadcast %and3A_1099 : i32 to vector<16xi32>
      %and3A_1101 = arith.andi %shift_right_arithmetic3A_1098, %and3A_1100 : vector<16xi32>
      %eq3A_1102 = vector.broadcast %arg0 : i32 to vector<16xi32>
      %eq3A_1103 = arith.cmpi eq, %and3A_1101, %eq3A_1102 : vector<16xi32>
      %and3A_1104 = arith.andi %ge3A_1095, %eq3A_1103 : vector<16xi1>
      %shift_right_arithmetic3A_1105 = arith.constant 17 : i32
      %shift_right_arithmetic3A_1106 = vector.broadcast %shift_right_arithmetic3A_1105 : i32 to vector<16xi32>
      %shift_right_arithmetic3A_1107 = arith.shrsi %get3A_1092, %shift_right_arithmetic3A_1106 : vector<16xi32>
      %and3A_1108 = arith.constant 7 : i32
      %and3A_1109 = vector.broadcast %and3A_1108 : i32 to vector<16xi32>
      %and3A_1110 = arith.andi %shift_right_arithmetic3A_1107, %and3A_1109 : vector<16xi32>
      %shift_left3A_1111 = arith.constant 2 : i32
      %shift_left3A_1112 = vector.broadcast %shift_left3A_1111 : i32 to vector<16xi32>
      %shift_left3A_1113 = arith.shli %and3A_1110, %shift_left3A_1112 : vector<16xi32>
      %shift_left3A_1114 = arith.constant 1 : i32
      %shift_left3A_1115 = vector.broadcast %shift_left3A_1114 : i32 to vector<16xi32>
      %shift_left3A_1116 = arith.shli %shift_left3A_1115, %shift_left3A_1113 : vector<16xi32>
      %jit3A_1117 = arith.constant 0 : i32
      %broadcast_in_dim3A_1118 = vector.broadcast %jit3A_1117 : i32 to vector<16xi32>
      %select_n3A_1119 = arith.select %and3A_1104, %shift_left3A_1116, %broadcast_in_dim3A_1118 : vector<16xi1>, vector<16xi32>
      %and3A_1120 = arith.constant 65535 : i32
      %and3A_1121 = vector.broadcast %and3A_1120 : i32 to vector<16xi32>
      %and3A_1122 = arith.andi %get3A_1092, %and3A_1121 : vector<16xi32>
      %swap3A_1123 = arith.index_cast %add3A_834 : i32 to index
      %swap3A_1124 = arith.constant 96 : index
      %swap3A_1125 = tpu.vector_load %arg6[%swap3A_1123, %swap3A_1124] {strides = array<i32>} : memref<49x128xi32, #tpu.memory_space<vmem>>, vector<16xi32>,
      tpu.vector_store %arg6[%swap3A_1123, %swap3A_1124], %and3A_1122 {strides = array<i32>} : memref<49x128xi32, #tpu.memory_space<vmem>>, vector<16xi32>,
      %swap3A_1126 = arith.index_cast %add3A_834 : i32 to index
      %swap3A_1127 = arith.constant 96 : index
      %swap3A_1128 = tpu.vector_load %arg7[%swap3A_1126, %swap3A_1127] {strides = array<i32>} : memref<49x128xi32, #tpu.memory_space<vmem>>, vector<16xi32>,
      tpu.vector_store %arg7[%swap3A_1126, %swap3A_1127], %select_n3A_1119 {strides = array<i32>} : memref<49x128xi32, #tpu.memory_space<vmem>>, vector<16xi32>,
      %mul3A_1129 = arith.constant 128 : i32
      %mul3A_1130 = arith.muli %add3A_834, %mul3A_1129 : i32
      %add3A_1131 = arith.constant 112 : i32
      %add3A_1132 = arith.addi %mul3A_1130, %add3A_1131 : i32
      %get3A_1133 = arith.index_cast %add3A_1132 : i32 to index
      %get3A_1134 = tpu.vector_load %arg5[%get3A_1133] {strides = array<i32>} : memref<6272xi32, #tpu.memory_space<vmem>>, vector<16xi32>,
      %ge3A_1135 = arith.constant 0 : i32
      %ge3A_1136 = vector.broadcast %ge3A_1135 : i32 to vector<16xi32>
      %ge3A_1137 = arith.cmpi sge, %get3A_1134, %ge3A_1136 : vector<16xi32>
      %shift_right_arithmetic3A_1138 = arith.constant 16 : i32
      %shift_right_arithmetic3A_1139 = vector.broadcast %shift_right_arithmetic3A_1138 : i32 to vector<16xi32>
      %shift_right_arithmetic3A_1140 = arith.shrsi %get3A_1134, %shift_right_arithmetic3A_1139 : vector<16xi32>
      %and3A_1141 = arith.constant 1 : i32
      %and3A_1142 = vector.broadcast %and3A_1141 : i32 to vector<16xi32>
      %and3A_1143 = arith.andi %shift_right_arithmetic3A_1140, %and3A_1142 : vector<16xi32>
      %eq3A_1144 = vector.broadcast %arg0 : i32 to vector<16xi32>
      %eq3A_1145 = arith.cmpi eq, %and3A_1143, %eq3A_1144 : vector<16xi32>
      %and3A_1146 = arith.andi %ge3A_1137, %eq3A_1145 : vector<16xi1>
      %shift_right_arithmetic3A_1147 = arith.constant 17 : i32
      %shift_right_arithmetic3A_1148 = vector.broadcast %shift_right_arithmetic3A_1147 : i32 to vector<16xi32>
      %shift_right_arithmetic3A_1149 = arith.shrsi %get3A_1134, %shift_right_arithmetic3A_1148 : vector<16xi32>
      %and3A_1150 = arith.constant 7 : i32
      %and3A_1151 = vector.broadcast %and3A_1150 : i32 to vector<16xi32>
      %and3A_1152 = arith.andi %shift_right_arithmetic3A_1149, %and3A_1151 : vector<16xi32>
      %shift_left3A_1153 = arith.constant 2 : i32
      %shift_left3A_1154 = vector.broadcast %shift_left3A_1153 : i32 to vector<16xi32>
      %shift_left3A_1155 = arith.shli %and3A_1152, %shift_left3A_1154 : vector<16xi32>
      %shift_left3A_1156 = arith.constant 1 : i32
      %shift_left3A_1157 = vector.broadcast %shift_left3A_1156 : i32 to vector<16xi32>
      %shift_left3A_1158 = arith.shli %shift_left3A_1157, %shift_left3A_1155 : vector<16xi32>
      %jit3A_1159 = arith.constant 0 : i32
      %broadcast_in_dim3A_1160 = vector.broadcast %jit3A_1159 : i32 to vector<16xi32>
      %select_n3A_1161 = arith.select %and3A_1146, %shift_left3A_1158, %broadcast_in_dim3A_1160 : vector<16xi1>, vector<16xi32>
      %and3A_1162 = arith.constant 65535 : i32
      %and3A_1163 = vector.broadcast %and3A_1162 : i32 to vector<16xi32>
      %and3A_1164 = arith.andi %get3A_1134, %and3A_1163 : vector<16xi32>
      %swap3A_1165 = arith.index_cast %add3A_834 : i32 to index
      %swap3A_1166 = arith.constant 112 : index
      %swap3A_1167 = tpu.vector_load %arg6[%swap3A_1165, %swap3A_1166] {strides = array<i32>} : memref<49x128xi32, #tpu.memory_space<vmem>>, vector<16xi32>,
      tpu.vector_store %arg6[%swap3A_1165, %swap3A_1166], %and3A_1164 {strides = array<i32>} : memref<49x128xi32, #tpu.memory_space<vmem>>, vector<16xi32>,
      %swap3A_1168 = arith.index_cast %add3A_834 : i32 to index
      %swap3A_1169 = arith.constant 112 : index
      %swap3A_1170 = tpu.vector_load %arg7[%swap3A_1168, %swap3A_1169] {strides = array<i32>} : memref<49x128xi32, #tpu.memory_space<vmem>>, vector<16xi32>,
      tpu.vector_store %arg7[%swap3A_1168, %swap3A_1169], %select_n3A_1161 {strides = array<i32>} : memref<49x128xi32, #tpu.memory_space<vmem>>, vector<16xi32>,
      %dma_start3A_1171 = arith.constant 0 : i32
      %dma_start3A_1172 = tpu.memref_slice %arg7[%add3A_834, %dma_start3A_1171] : memref<49x128xi32, #tpu.memory_space<vmem>> -> memref<1x128xi32, #tpu.memory_space<vmem>>
      %dma_start3A_1173 = tpu.memref_squeeze %dma_start3A_1172 : memref<1x128xi32, #tpu.memory_space<vmem>> -> memref<128xi32, #tpu.memory_space<vmem>>
      %dma_start3A_1174 = arith.constant 0 : i32
      %dma_start3A_1175 = tpu.memref_slice %arg6[%add3A_834, %dma_start3A_1174] : memref<49x128xi32, #tpu.memory_space<vmem>> -> memref<1x128xi32, #tpu.memory_space<vmem>>
      %dma_start3A_1176 = tpu.memref_squeeze %dma_start3A_1175 : memref<1x128xi32, #tpu.memory_space<vmem>> -> memref<128xi32, #tpu.memory_space<vmem>>
      %dma_start3A_1177 = arith.constant 0 : i32
      %dma_start3A_1178 = tpu.memref_slice %arg4[%dma_start3A_1177] : memref<65536xi32, #tpu.memory_space<vmem_shared>> -> memref<65536xi32, #tpu.memory_space<vmem_shared>>
      tpu.enqueue_indirect_dma source(%dma_start3A_1173 : memref<128xi32, #tpu.memory_space<vmem>>) target(%dma_start3A_1178 : memref<65536xi32, #tpu.memory_space<vmem_shared>>) offsets(%dma_start3A_1176 : memref<128xi32, #tpu.memory_space<vmem>>) semaphore(%arg13 : memref<!tpu.dma_semaphore, #tpu.memory_space<semaphore_mem>>) {add = true}
    }
    %scan3A_400 = arith.constant 47 : i32
    %get3A_401 = arith.constant 6144 : index
    %get3A_402 = tpu.vector_load %arg5[%get3A_401] {strides = array<i32>} : memref<6272xi32, #tpu.memory_space<vmem>>, vector<16xi32>,
    %ge3A_403 = arith.constant 0 : i32
    %ge3A_404 = vector.broadcast %ge3A_403 : i32 to vector<16xi32>
    %ge3A_405 = arith.cmpi sge, %get3A_402, %ge3A_404 : vector<16xi32>
    %shift_right_arithmetic3A_406 = arith.constant 16 : i32
    %shift_right_arithmetic3A_407 = vector.broadcast %shift_right_arithmetic3A_406 : i32 to vector<16xi32>
    %shift_right_arithmetic3A_408 = arith.shrsi %get3A_402, %shift_right_arithmetic3A_407 : vector<16xi32>
    %and3A_409 = arith.constant 1 : i32
    %and3A_410 = vector.broadcast %and3A_409 : i32 to vector<16xi32>
    %and3A_411 = arith.andi %shift_right_arithmetic3A_408, %and3A_410 : vector<16xi32>
    %eq3A_412 = vector.broadcast %arg0 : i32 to vector<16xi32>
    %eq3A_413 = arith.cmpi eq, %and3A_411, %eq3A_412 : vector<16xi32>
    %and3A_414 = arith.andi %ge3A_405, %eq3A_413 : vector<16xi1>
    %add3A_415 = arith.constant 6144 : i32
    %add3A_416 = vector.broadcast %add3A_415 : i32 to vector<16xi32>
    %add3A_417 = arith.addi %add3A_416, %iota3A : vector<16xi32>
    %add3A_418 = arith.constant 6250 : i32
    %add3A_419 = arith.addi %and3A_3, %add3A_418 : i32
    %lt3A = vector.broadcast %add3A_419 : i32 to vector<16xi32>
    %lt3A_420 = arith.cmpi slt, %add3A_417, %lt3A : vector<16xi32>
    %and3A_421 = arith.andi %and3A_414, %lt3A_420 : vector<16xi1>
    %shift_right_arithmetic3A_422 = arith.constant 17 : i32
    %shift_right_arithmetic3A_423 = vector.broadcast %shift_right_arithmetic3A_422 : i32 to vector<16xi32>
    %shift_right_arithmetic3A_424 = arith.shrsi %get3A_402, %shift_right_arithmetic3A_423 : vector<16xi32>
    %and3A_425 = arith.constant 7 : i32
    %and3A_426 = vector.broadcast %and3A_425 : i32 to vector<16xi32>
    %and3A_427 = arith.andi %shift_right_arithmetic3A_424, %and3A_426 : vector<16xi32>
    %shift_left3A_428 = arith.constant 2 : i32
    %shift_left3A_429 = vector.broadcast %shift_left3A_428 : i32 to vector<16xi32>
    %shift_left3A_430 = arith.shli %and3A_427, %shift_left3A_429 : vector<16xi32>
    %shift_left3A_431 = arith.constant 1 : i32
    %shift_left3A_432 = vector.broadcast %shift_left3A_431 : i32 to vector<16xi32>
    %shift_left3A_433 = arith.shli %shift_left3A_432, %shift_left3A_430 : vector<16xi32>
    %jit3A_434 = arith.constant 0 : i32
    %broadcast_in_dim3A_435 = vector.broadcast %jit3A_434 : i32 to vector<16xi32>
    %select_n3A_436 = arith.select %and3A_421, %shift_left3A_433, %broadcast_in_dim3A_435 : vector<16xi1>, vector<16xi32>
    %and3A_437 = arith.constant 65535 : i32
    %and3A_438 = vector.broadcast %and3A_437 : i32 to vector<16xi32>
    %and3A_439 = arith.andi %get3A_402, %and3A_438 : vector<16xi32>
    %swap3A_440 = arith.constant 48 : i32
    %swap3A_441 = arith.index_cast %swap3A_440 : i32 to index
    %swap3A_442 = arith.constant 0 : index
    %swap3A_443 = tpu.vector_load %arg6[%swap3A_441, %swap3A_442] {strides = array<i32>} : memref<49x128xi32, #tpu.memory_space<vmem>>, vector<16xi32>,
    tpu.vector_store %arg6[%swap3A_441, %swap3A_442], %and3A_439 {strides = array<i32>} : memref<49x128xi32, #tpu.memory_space<vmem>>, vector<16xi32>,
    %swap3A_444 = arith.constant 48 : i32
    %swap3A_445 = arith.index_cast %swap3A_444 : i32 to index
    %swap3A_446 = arith.constant 0 : index
    %swap3A_447 = tpu.vector_load %arg7[%swap3A_445, %swap3A_446] {strides = array<i32>} : memref<49x128xi32, #tpu.memory_space<vmem>>, vector<16xi32>,
    tpu.vector_store %arg7[%swap3A_445, %swap3A_446], %select_n3A_436 {strides = array<i32>} : memref<49x128xi32, #tpu.memory_space<vmem>>, vector<16xi32>,
    %get3A_448 = arith.constant 6160 : index
    %get3A_449 = tpu.vector_load %arg5[%get3A_448] {strides = array<i32>} : memref<6272xi32, #tpu.memory_space<vmem>>, vector<16xi32>,
    %ge3A_450 = arith.constant 0 : i32
    %ge3A_451 = vector.broadcast %ge3A_450 : i32 to vector<16xi32>
    %ge3A_452 = arith.cmpi sge, %get3A_449, %ge3A_451 : vector<16xi32>
    %shift_right_arithmetic3A_453 = arith.constant 16 : i32
    %shift_right_arithmetic3A_454 = vector.broadcast %shift_right_arithmetic3A_453 : i32 to vector<16xi32>
    %shift_right_arithmetic3A_455 = arith.shrsi %get3A_449, %shift_right_arithmetic3A_454 : vector<16xi32>
    %and3A_456 = arith.constant 1 : i32
    %and3A_457 = vector.broadcast %and3A_456 : i32 to vector<16xi32>
    %and3A_458 = arith.andi %shift_right_arithmetic3A_455, %and3A_457 : vector<16xi32>
    %eq3A_459 = vector.broadcast %arg0 : i32 to vector<16xi32>
    %eq3A_460 = arith.cmpi eq, %and3A_458, %eq3A_459 : vector<16xi32>
    %and3A_461 = arith.andi %ge3A_452, %eq3A_460 : vector<16xi1>
    %add3A_462 = arith.constant 6160 : i32
    %add3A_463 = vector.broadcast %add3A_462 : i32 to vector<16xi32>
    %add3A_464 = arith.addi %add3A_463, %iota3A : vector<16xi32>
    %add3A_465 = arith.constant 6250 : i32
    %add3A_466 = arith.addi %and3A_3, %add3A_465 : i32
    %lt3A_467 = vector.broadcast %add3A_466 : i32 to vector<16xi32>
    %lt3A_468 = arith.cmpi slt, %add3A_464, %lt3A_467 : vector<16xi32>
    %and3A_469 = arith.andi %and3A_461, %lt3A_468 : vector<16xi1>
    %shift_right_arithmetic3A_470 = arith.constant 17 : i32
    %shift_right_arithmetic3A_471 = vector.broadcast %shift_right_arithmetic3A_470 : i32 to vector<16xi32>
    %shift_right_arithmetic3A_472 = arith.shrsi %get3A_449, %shift_right_arithmetic3A_471 : vector<16xi32>
    %and3A_473 = arith.constant 7 : i32
    %and3A_474 = vector.broadcast %and3A_473 : i32 to vector<16xi32>
    %and3A_475 = arith.andi %shift_right_arithmetic3A_472, %and3A_474 : vector<16xi32>
    %shift_left3A_476 = arith.constant 2 : i32
    %shift_left3A_477 = vector.broadcast %shift_left3A_476 : i32 to vector<16xi32>
    %shift_left3A_478 = arith.shli %and3A_475, %shift_left3A_477 : vector<16xi32>
    %shift_left3A_479 = arith.constant 1 : i32
    %shift_left3A_480 = vector.broadcast %shift_left3A_479 : i32 to vector<16xi32>
    %shift_left3A_481 = arith.shli %shift_left3A_480, %shift_left3A_478 : vector<16xi32>
    %jit3A_482 = arith.constant 0 : i32
    %broadcast_in_dim3A_483 = vector.broadcast %jit3A_482 : i32 to vector<16xi32>
    %select_n3A_484 = arith.select %and3A_469, %shift_left3A_481, %broadcast_in_dim3A_483 : vector<16xi1>, vector<16xi32>
    %and3A_485 = arith.constant 65535 : i32
    %and3A_486 = vector.broadcast %and3A_485 : i32 to vector<16xi32>
    %and3A_487 = arith.andi %get3A_449, %and3A_486 : vector<16xi32>
    %swap3A_488 = arith.constant 48 : i32
    %swap3A_489 = arith.index_cast %swap3A_488 : i32 to index
    %swap3A_490 = arith.constant 16 : index
    %swap3A_491 = tpu.vector_load %arg6[%swap3A_489, %swap3A_490] {strides = array<i32>} : memref<49x128xi32, #tpu.memory_space<vmem>>, vector<16xi32>,
    tpu.vector_store %arg6[%swap3A_489, %swap3A_490], %and3A_487 {strides = array<i32>} : memref<49x128xi32, #tpu.memory_space<vmem>>, vector<16xi32>,
    %swap3A_492 = arith.constant 48 : i32
    %swap3A_493 = arith.index_cast %swap3A_492 : i32 to index
    %swap3A_494 = arith.constant 16 : index
    %swap3A_495 = tpu.vector_load %arg7[%swap3A_493, %swap3A_494] {strides = array<i32>} : memref<49x128xi32, #tpu.memory_space<vmem>>, vector<16xi32>,
    tpu.vector_store %arg7[%swap3A_493, %swap3A_494], %select_n3A_484 {strides = array<i32>} : memref<49x128xi32, #tpu.memory_space<vmem>>, vector<16xi32>,
    %get3A_496 = arith.constant 6176 : index
    %get3A_497 = tpu.vector_load %arg5[%get3A_496] {strides = array<i32>} : memref<6272xi32, #tpu.memory_space<vmem>>, vector<16xi32>,
    %ge3A_498 = arith.constant 0 : i32
    %ge3A_499 = vector.broadcast %ge3A_498 : i32 to vector<16xi32>
    %ge3A_500 = arith.cmpi sge, %get3A_497, %ge3A_499 : vector<16xi32>
    %shift_right_arithmetic3A_501 = arith.constant 16 : i32
    %shift_right_arithmetic3A_502 = vector.broadcast %shift_right_arithmetic3A_501 : i32 to vector<16xi32>
    %shift_right_arithmetic3A_503 = arith.shrsi %get3A_497, %shift_right_arithmetic3A_502 : vector<16xi32>
    %and3A_504 = arith.constant 1 : i32
    %and3A_505 = vector.broadcast %and3A_504 : i32 to vector<16xi32>
    %and3A_506 = arith.andi %shift_right_arithmetic3A_503, %and3A_505 : vector<16xi32>
    %eq3A_507 = vector.broadcast %arg0 : i32 to vector<16xi32>
    %eq3A_508 = arith.cmpi eq, %and3A_506, %eq3A_507 : vector<16xi32>
    %and3A_509 = arith.andi %ge3A_500, %eq3A_508 : vector<16xi1>
    %add3A_510 = arith.constant 6176 : i32
    %add3A_511 = vector.broadcast %add3A_510 : i32 to vector<16xi32>
    %add3A_512 = arith.addi %add3A_511, %iota3A : vector<16xi32>
    %add3A_513 = arith.constant 6250 : i32
    %add3A_514 = arith.addi %and3A_3, %add3A_513 : i32
    %lt3A_515 = vector.broadcast %add3A_514 : i32 to vector<16xi32>
    %lt3A_516 = arith.cmpi slt, %add3A_512, %lt3A_515 : vector<16xi32>
    %and3A_517 = arith.andi %and3A_509, %lt3A_516 : vector<16xi1>
    %shift_right_arithmetic3A_518 = arith.constant 17 : i32
    %shift_right_arithmetic3A_519 = vector.broadcast %shift_right_arithmetic3A_518 : i32 to vector<16xi32>
    %shift_right_arithmetic3A_520 = arith.shrsi %get3A_497, %shift_right_arithmetic3A_519 : vector<16xi32>
    %and3A_521 = arith.constant 7 : i32
    %and3A_522 = vector.broadcast %and3A_521 : i32 to vector<16xi32>
    %and3A_523 = arith.andi %shift_right_arithmetic3A_520, %and3A_522 : vector<16xi32>
    %shift_left3A_524 = arith.constant 2 : i32
    %shift_left3A_525 = vector.broadcast %shift_left3A_524 : i32 to vector<16xi32>
    %shift_left3A_526 = arith.shli %and3A_523, %shift_left3A_525 : vector<16xi32>
    %shift_left3A_527 = arith.constant 1 : i32
    %shift_left3A_528 = vector.broadcast %shift_left3A_527 : i32 to vector<16xi32>
    %shift_left3A_529 = arith.shli %shift_left3A_528, %shift_left3A_526 : vector<16xi32>
    %jit3A_530 = arith.constant 0 : i32
    %broadcast_in_dim3A_531 = vector.broadcast %jit3A_530 : i32 to vector<16xi32>
    %select_n3A_532 = arith.select %and3A_517, %shift_left3A_529, %broadcast_in_dim3A_531 : vector<16xi1>, vector<16xi32>
    %and3A_533 = arith.constant 65535 : i32
    %and3A_534 = vector.broadcast %and3A_533 : i32 to vector<16xi32>
    %and3A_535 = arith.andi %get3A_497, %and3A_534 : vector<16xi32>
    %swap3A_536 = arith.constant 48 : i32
    %swap3A_537 = arith.index_cast %swap3A_536 : i32 to index
    %swap3A_538 = arith.constant 32 : index
    %swap3A_539 = tpu.vector_load %arg6[%swap3A_537, %swap3A_538] {strides = array<i32>} : memref<49x128xi32, #tpu.memory_space<vmem>>, vector<16xi32>,
    tpu.vector_store %arg6[%swap3A_537, %swap3A_538], %and3A_535 {strides = array<i32>} : memref<49x128xi32, #tpu.memory_space<vmem>>, vector<16xi32>,
    %swap3A_540 = arith.constant 48 : i32
    %swap3A_541 = arith.index_cast %swap3A_540 : i32 to index
    %swap3A_542 = arith.constant 32 : index
    %swap3A_543 = tpu.vector_load %arg7[%swap3A_541, %swap3A_542] {strides = array<i32>} : memref<49x128xi32, #tpu.memory_space<vmem>>, vector<16xi32>,
    tpu.vector_store %arg7[%swap3A_541, %swap3A_542], %select_n3A_532 {strides = array<i32>} : memref<49x128xi32, #tpu.memory_space<vmem>>, vector<16xi32>,
    %get3A_544 = arith.constant 6192 : index
    %get3A_545 = tpu.vector_load %arg5[%get3A_544] {strides = array<i32>} : memref<6272xi32, #tpu.memory_space<vmem>>, vector<16xi32>,
    %ge3A_546 = arith.constant 0 : i32
    %ge3A_547 = vector.broadcast %ge3A_546 : i32 to vector<16xi32>
    %ge3A_548 = arith.cmpi sge, %get3A_545, %ge3A_547 : vector<16xi32>
    %shift_right_arithmetic3A_549 = arith.constant 16 : i32
    %shift_right_arithmetic3A_550 = vector.broadcast %shift_right_arithmetic3A_549 : i32 to vector<16xi32>
    %shift_right_arithmetic3A_551 = arith.shrsi %get3A_545, %shift_right_arithmetic3A_550 : vector<16xi32>
    %and3A_552 = arith.constant 1 : i32
    %and3A_553 = vector.broadcast %and3A_552 : i32 to vector<16xi32>
    %and3A_554 = arith.andi %shift_right_arithmetic3A_551, %and3A_553 : vector<16xi32>
    %eq3A_555 = vector.broadcast %arg0 : i32 to vector<16xi32>
    %eq3A_556 = arith.cmpi eq, %and3A_554, %eq3A_555 : vector<16xi32>
    %and3A_557 = arith.andi %ge3A_548, %eq3A_556 : vector<16xi1>
    %add3A_558 = arith.constant 6192 : i32
    %add3A_559 = vector.broadcast %add3A_558 : i32 to vector<16xi32>
    %add3A_560 = arith.addi %add3A_559, %iota3A : vector<16xi32>
    %add3A_561 = arith.constant 6250 : i32
    %add3A_562 = arith.addi %and3A_3, %add3A_561 : i32
    %lt3A_563 = vector.broadcast %add3A_562 : i32 to vector<16xi32>
    %lt3A_564 = arith.cmpi slt, %add3A_560, %lt3A_563 : vector<16xi32>
    %and3A_565 = arith.andi %and3A_557, %lt3A_564 : vector<16xi1>
    %shift_right_arithmetic3A_566 = arith.constant 17 : i32
    %shift_right_arithmetic3A_567 = vector.broadcast %shift_right_arithmetic3A_566 : i32 to vector<16xi32>
    %shift_right_arithmetic3A_568 = arith.shrsi %get3A_545, %shift_right_arithmetic3A_567 : vector<16xi32>
    %and3A_569 = arith.constant 7 : i32
    %and3A_570 = vector.broadcast %and3A_569 : i32 to vector<16xi32>
    %and3A_571 = arith.andi %shift_right_arithmetic3A_568, %and3A_570 : vector<16xi32>
    %shift_left3A_572 = arith.constant 2 : i32
    %shift_left3A_573 = vector.broadcast %shift_left3A_572 : i32 to vector<16xi32>
    %shift_left3A_574 = arith.shli %and3A_571, %shift_left3A_573 : vector<16xi32>
    %shift_left3A_575 = arith.constant 1 : i32
    %shift_left3A_576 = vector.broadcast %shift_left3A_575 : i32 to vector<16xi32>
    %shift_left3A_577 = arith.shli %shift_left3A_576, %shift_left3A_574 : vector<16xi32>
    %jit3A_578 = arith.constant 0 : i32
    %broadcast_in_dim3A_579 = vector.broadcast %jit3A_578 : i32 to vector<16xi32>
    %select_n3A_580 = arith.select %and3A_565, %shift_left3A_577, %broadcast_in_dim3A_579 : vector<16xi1>, vector<16xi32>
    %and3A_581 = arith.constant 65535 : i32
    %and3A_582 = vector.broadcast %and3A_581 : i32 to vector<16xi32>
    %and3A_583 = arith.andi %get3A_545, %and3A_582 : vector<16xi32>
    %swap3A_584 = arith.constant 48 : i32
    %swap3A_585 = arith.index_cast %swap3A_584 : i32 to index
    %swap3A_586 = arith.constant 48 : index
    %swap3A_587 = tpu.vector_load %arg6[%swap3A_585, %swap3A_586] {strides = array<i32>} : memref<49x128xi32, #tpu.memory_space<vmem>>, vector<16xi32>,
    tpu.vector_store %arg6[%swap3A_585, %swap3A_586], %and3A_583 {strides = array<i32>} : memref<49x128xi32, #tpu.memory_space<vmem>>, vector<16xi32>,
    %swap3A_588 = arith.constant 48 : i32
    %swap3A_589 = arith.index_cast %swap3A_588 : i32 to index
    %swap3A_590 = arith.constant 48 : index
    %swap3A_591 = tpu.vector_load %arg7[%swap3A_589, %swap3A_590] {strides = array<i32>} : memref<49x128xi32, #tpu.memory_space<vmem>>, vector<16xi32>,
    tpu.vector_store %arg7[%swap3A_589, %swap3A_590], %select_n3A_580 {strides = array<i32>} : memref<49x128xi32, #tpu.memory_space<vmem>>, vector<16xi32>,
    %get3A_592 = arith.constant 6208 : index
    %get3A_593 = tpu.vector_load %arg5[%get3A_592] {strides = array<i32>} : memref<6272xi32, #tpu.memory_space<vmem>>, vector<16xi32>,
    %ge3A_594 = arith.constant 0 : i32
    %ge3A_595 = vector.broadcast %ge3A_594 : i32 to vector<16xi32>
    %ge3A_596 = arith.cmpi sge, %get3A_593, %ge3A_595 : vector<16xi32>
    %shift_right_arithmetic3A_597 = arith.constant 16 : i32
    %shift_right_arithmetic3A_598 = vector.broadcast %shift_right_arithmetic3A_597 : i32 to vector<16xi32>
    %shift_right_arithmetic3A_599 = arith.shrsi %get3A_593, %shift_right_arithmetic3A_598 : vector<16xi32>
    %and3A_600 = arith.constant 1 : i32
    %and3A_601 = vector.broadcast %and3A_600 : i32 to vector<16xi32>
    %and3A_602 = arith.andi %shift_right_arithmetic3A_599, %and3A_601 : vector<16xi32>
    %eq3A_603 = vector.broadcast %arg0 : i32 to vector<16xi32>
    %eq3A_604 = arith.cmpi eq, %and3A_602, %eq3A_603 : vector<16xi32>
    %and3A_605 = arith.andi %ge3A_596, %eq3A_604 : vector<16xi1>
    %add3A_606 = arith.constant 6208 : i32
    %add3A_607 = vector.broadcast %add3A_606 : i32 to vector<16xi32>
    %add3A_608 = arith.addi %add3A_607, %iota3A : vector<16xi32>
    %add3A_609 = arith.constant 6250 : i32
    %add3A_610 = arith.addi %and3A_3, %add3A_609 : i32
    %lt3A_611 = vector.broadcast %add3A_610 : i32 to vector<16xi32>
    %lt3A_612 = arith.cmpi slt, %add3A_608, %lt3A_611 : vector<16xi32>
    %and3A_613 = arith.andi %and3A_605, %lt3A_612 : vector<16xi1>
    %shift_right_arithmetic3A_614 = arith.constant 17 : i32
    %shift_right_arithmetic3A_615 = vector.broadcast %shift_right_arithmetic3A_614 : i32 to vector<16xi32>
    %shift_right_arithmetic3A_616 = arith.shrsi %get3A_593, %shift_right_arithmetic3A_615 : vector<16xi32>
    %and3A_617 = arith.constant 7 : i32
    %and3A_618 = vector.broadcast %and3A_617 : i32 to vector<16xi32>
    %and3A_619 = arith.andi %shift_right_arithmetic3A_616, %and3A_618 : vector<16xi32>
    %shift_left3A_620 = arith.constant 2 : i32
    %shift_left3A_621 = vector.broadcast %shift_left3A_620 : i32 to vector<16xi32>
    %shift_left3A_622 = arith.shli %and3A_619, %shift_left3A_621 : vector<16xi32>
    %shift_left3A_623 = arith.constant 1 : i32
    %shift_left3A_624 = vector.broadcast %shift_left3A_623 : i32 to vector<16xi32>
    %shift_left3A_625 = arith.shli %shift_left3A_624, %shift_left3A_622 : vector<16xi32>
    %jit3A_626 = arith.constant 0 : i32
    %broadcast_in_dim3A_627 = vector.broadcast %jit3A_626 : i32 to vector<16xi32>
    %select_n3A_628 = arith.select %and3A_613, %shift_left3A_625, %broadcast_in_dim3A_627 : vector<16xi1>, vector<16xi32>
    %and3A_629 = arith.constant 65535 : i32
    %and3A_630 = vector.broadcast %and3A_629 : i32 to vector<16xi32>
    %and3A_631 = arith.andi %get3A_593, %and3A_630 : vector<16xi32>
    %swap3A_632 = arith.constant 48 : i32
    %swap3A_633 = arith.index_cast %swap3A_632 : i32 to index
    %swap3A_634 = arith.constant 64 : index
    %swap3A_635 = tpu.vector_load %arg6[%swap3A_633, %swap3A_634] {strides = array<i32>} : memref<49x128xi32, #tpu.memory_space<vmem>>, vector<16xi32>,
    tpu.vector_store %arg6[%swap3A_633, %swap3A_634], %and3A_631 {strides = array<i32>} : memref<49x128xi32, #tpu.memory_space<vmem>>, vector<16xi32>,
    %swap3A_636 = arith.constant 48 : i32
    %swap3A_637 = arith.index_cast %swap3A_636 : i32 to index
    %swap3A_638 = arith.constant 64 : index
    %swap3A_639 = tpu.vector_load %arg7[%swap3A_637, %swap3A_638] {strides = array<i32>} : memref<49x128xi32, #tpu.memory_space<vmem>>, vector<16xi32>,
    tpu.vector_store %arg7[%swap3A_637, %swap3A_638], %select_n3A_628 {strides = array<i32>} : memref<49x128xi32, #tpu.memory_space<vmem>>, vector<16xi32>,
    %get3A_640 = arith.constant 6224 : index
    %get3A_641 = tpu.vector_load %arg5[%get3A_640] {strides = array<i32>} : memref<6272xi32, #tpu.memory_space<vmem>>, vector<16xi32>,
    %ge3A_642 = arith.constant 0 : i32
    %ge3A_643 = vector.broadcast %ge3A_642 : i32 to vector<16xi32>
    %ge3A_644 = arith.cmpi sge, %get3A_641, %ge3A_643 : vector<16xi32>
    %shift_right_arithmetic3A_645 = arith.constant 16 : i32
    %shift_right_arithmetic3A_646 = vector.broadcast %shift_right_arithmetic3A_645 : i32 to vector<16xi32>
    %shift_right_arithmetic3A_647 = arith.shrsi %get3A_641, %shift_right_arithmetic3A_646 : vector<16xi32>
    %and3A_648 = arith.constant 1 : i32
    %and3A_649 = vector.broadcast %and3A_648 : i32 to vector<16xi32>
    %and3A_650 = arith.andi %shift_right_arithmetic3A_647, %and3A_649 : vector<16xi32>
    %eq3A_651 = vector.broadcast %arg0 : i32 to vector<16xi32>
    %eq3A_652 = arith.cmpi eq, %and3A_650, %eq3A_651 : vector<16xi32>
    %and3A_653 = arith.andi %ge3A_644, %eq3A_652 : vector<16xi1>
    %add3A_654 = arith.constant 6224 : i32
    %add3A_655 = vector.broadcast %add3A_654 : i32 to vector<16xi32>
    %add3A_656 = arith.addi %add3A_655, %iota3A : vector<16xi32>
    %add3A_657 = arith.constant 6250 : i32
    %add3A_658 = arith.addi %and3A_3, %add3A_657 : i32
    %lt3A_659 = vector.broadcast %add3A_658 : i32 to vector<16xi32>
    %lt3A_660 = arith.cmpi slt, %add3A_656, %lt3A_659 : vector<16xi32>
    %and3A_661 = arith.andi %and3A_653, %lt3A_660 : vector<16xi1>
    %shift_right_arithmetic3A_662 = arith.constant 17 : i32
    %shift_right_arithmetic3A_663 = vector.broadcast %shift_right_arithmetic3A_662 : i32 to vector<16xi32>
    %shift_right_arithmetic3A_664 = arith.shrsi %get3A_641, %shift_right_arithmetic3A_663 : vector<16xi32>
    %and3A_665 = arith.constant 7 : i32
    %and3A_666 = vector.broadcast %and3A_665 : i32 to vector<16xi32>
    %and3A_667 = arith.andi %shift_right_arithmetic3A_664, %and3A_666 : vector<16xi32>
    %shift_left3A_668 = arith.constant 2 : i32
    %shift_left3A_669 = vector.broadcast %shift_left3A_668 : i32 to vector<16xi32>
    %shift_left3A_670 = arith.shli %and3A_667, %shift_left3A_669 : vector<16xi32>
    %shift_left3A_671 = arith.constant 1 : i32
    %shift_left3A_672 = vector.broadcast %shift_left3A_671 : i32 to vector<16xi32>
    %shift_left3A_673 = arith.shli %shift_left3A_672, %shift_left3A_670 : vector<16xi32>
    %jit3A_674 = arith.constant 0 : i32
    %broadcast_in_dim3A_675 = vector.broadcast %jit3A_674 : i32 to vector<16xi32>
    %select_n3A_676 = arith.select %and3A_661, %shift_left3A_673, %broadcast_in_dim3A_675 : vector<16xi1>, vector<16xi32>
    %and3A_677 = arith.constant 65535 : i32
    %and3A_678 = vector.broadcast %and3A_677 : i32 to vector<16xi32>
    %and3A_679 = arith.andi %get3A_641, %and3A_678 : vector<16xi32>
    %swap3A_680 = arith.constant 48 : i32
    %swap3A_681 = arith.index_cast %swap3A_680 : i32 to index
    %swap3A_682 = arith.constant 80 : index
    %swap3A_683 = tpu.vector_load %arg6[%swap3A_681, %swap3A_682] {strides = array<i32>} : memref<49x128xi32, #tpu.memory_space<vmem>>, vector<16xi32>,
    tpu.vector_store %arg6[%swap3A_681, %swap3A_682], %and3A_679 {strides = array<i32>} : memref<49x128xi32, #tpu.memory_space<vmem>>, vector<16xi32>,
    %swap3A_684 = arith.constant 48 : i32
    %swap3A_685 = arith.index_cast %swap3A_684 : i32 to index
    %swap3A_686 = arith.constant 80 : index
    %swap3A_687 = tpu.vector_load %arg7[%swap3A_685, %swap3A_686] {strides = array<i32>} : memref<49x128xi32, #tpu.memory_space<vmem>>, vector<16xi32>,
    tpu.vector_store %arg7[%swap3A_685, %swap3A_686], %select_n3A_676 {strides = array<i32>} : memref<49x128xi32, #tpu.memory_space<vmem>>, vector<16xi32>,
    %get3A_688 = arith.constant 6240 : index
    %get3A_689 = tpu.vector_load %arg5[%get3A_688] {strides = array<i32>} : memref<6272xi32, #tpu.memory_space<vmem>>, vector<16xi32>,
    %ge3A_690 = arith.constant 0 : i32
    %ge3A_691 = vector.broadcast %ge3A_690 : i32 to vector<16xi32>
    %ge3A_692 = arith.cmpi sge, %get3A_689, %ge3A_691 : vector<16xi32>
    %shift_right_arithmetic3A_693 = arith.constant 16 : i32
    %shift_right_arithmetic3A_694 = vector.broadcast %shift_right_arithmetic3A_693 : i32 to vector<16xi32>
    %shift_right_arithmetic3A_695 = arith.shrsi %get3A_689, %shift_right_arithmetic3A_694 : vector<16xi32>
    %and3A_696 = arith.constant 1 : i32
    %and3A_697 = vector.broadcast %and3A_696 : i32 to vector<16xi32>
    %and3A_698 = arith.andi %shift_right_arithmetic3A_695, %and3A_697 : vector<16xi32>
    %eq3A_699 = vector.broadcast %arg0 : i32 to vector<16xi32>
    %eq3A_700 = arith.cmpi eq, %and3A_698, %eq3A_699 : vector<16xi32>
    %and3A_701 = arith.andi %ge3A_692, %eq3A_700 : vector<16xi1>
    %add3A_702 = arith.constant 6240 : i32
    %add3A_703 = vector.broadcast %add3A_702 : i32 to vector<16xi32>
    %add3A_704 = arith.addi %add3A_703, %iota3A : vector<16xi32>
    %add3A_705 = arith.constant 6250 : i32
    %add3A_706 = arith.addi %and3A_3, %add3A_705 : i32
    %lt3A_707 = vector.broadcast %add3A_706 : i32 to vector<16xi32>
    %lt3A_708 = arith.cmpi slt, %add3A_704, %lt3A_707 : vector<16xi32>
    %and3A_709 = arith.andi %and3A_701, %lt3A_708 : vector<16xi1>
    %shift_right_arithmetic3A_710 = arith.constant 17 : i32
    %shift_right_arithmetic3A_711 = vector.broadcast %shift_right_arithmetic3A_710 : i32 to vector<16xi32>
    %shift_right_arithmetic3A_712 = arith.shrsi %get3A_689, %shift_right_arithmetic3A_711 : vector<16xi32>
    %and3A_713 = arith.constant 7 : i32
    %and3A_714 = vector.broadcast %and3A_713 : i32 to vector<16xi32>
    %and3A_715 = arith.andi %shift_right_arithmetic3A_712, %and3A_714 : vector<16xi32>
    %shift_left3A_716 = arith.constant 2 : i32
    %shift_left3A_717 = vector.broadcast %shift_left3A_716 : i32 to vector<16xi32>
    %shift_left3A_718 = arith.shli %and3A_715, %shift_left3A_717 : vector<16xi32>
    %shift_left3A_719 = arith.constant 1 : i32
    %shift_left3A_720 = vector.broadcast %shift_left3A_719 : i32 to vector<16xi32>
    %shift_left3A_721 = arith.shli %shift_left3A_720, %shift_left3A_718 : vector<16xi32>
    %jit3A_722 = arith.constant 0 : i32
    %broadcast_in_dim3A_723 = vector.broadcast %jit3A_722 : i32 to vector<16xi32>
    %select_n3A_724 = arith.select %and3A_709, %shift_left3A_721, %broadcast_in_dim3A_723 : vector<16xi1>, vector<16xi32>
    %and3A_725 = arith.constant 65535 : i32
    %and3A_726 = vector.broadcast %and3A_725 : i32 to vector<16xi32>
    %and3A_727 = arith.andi %get3A_689, %and3A_726 : vector<16xi32>
    %swap3A_728 = arith.constant 48 : i32
    %swap3A_729 = arith.index_cast %swap3A_728 : i32 to index
    %swap3A_730 = arith.constant 96 : index
    %swap3A_731 = tpu.vector_load %arg6[%swap3A_729, %swap3A_730] {strides = array<i32>} : memref<49x128xi32, #tpu.memory_space<vmem>>, vector<16xi32>,
    tpu.vector_store %arg6[%swap3A_729, %swap3A_730], %and3A_727 {strides = array<i32>} : memref<49x128xi32, #tpu.memory_space<vmem>>, vector<16xi32>,
    %swap3A_732 = arith.constant 48 : i32
    %swap3A_733 = arith.index_cast %swap3A_732 : i32 to index
    %swap3A_734 = arith.constant 96 : index
    %swap3A_735 = tpu.vector_load %arg7[%swap3A_733, %swap3A_734] {strides = array<i32>} : memref<49x128xi32, #tpu.memory_space<vmem>>, vector<16xi32>,
    tpu.vector_store %arg7[%swap3A_733, %swap3A_734], %select_n3A_724 {strides = array<i32>} : memref<49x128xi32, #tpu.memory_space<vmem>>, vector<16xi32>,
    %get3A_736 = arith.constant 6256 : index
    %get3A_737 = tpu.vector_load %arg5[%get3A_736] {strides = array<i32>} : memref<6272xi32, #tpu.memory_space<vmem>>, vector<16xi32>,
    %ge3A_738 = arith.constant 0 : i32
    %ge3A_739 = vector.broadcast %ge3A_738 : i32 to vector<16xi32>
    %ge3A_740 = arith.cmpi sge, %get3A_737, %ge3A_739 : vector<16xi32>
    %shift_right_arithmetic3A_741 = arith.constant 16 : i32
    %shift_right_arithmetic3A_742 = vector.broadcast %shift_right_arithmetic3A_741 : i32 to vector<16xi32>
    %shift_right_arithmetic3A_743 = arith.shrsi %get3A_737, %shift_right_arithmetic3A_742 : vector<16xi32>
    %and3A_744 = arith.constant 1 : i32
    %and3A_745 = vector.broadcast %and3A_744 : i32 to vector<16xi32>
    %and3A_746 = arith.andi %shift_right_arithmetic3A_743, %and3A_745 : vector<16xi32>
    %eq3A_747 = vector.broadcast %arg0 : i32 to vector<16xi32>
    %eq3A_748 = arith.cmpi eq, %and3A_746, %eq3A_747 : vector<16xi32>
    %and3A_749 = arith.andi %ge3A_740, %eq3A_748 : vector<16xi1>
    %add3A_750 = arith.constant 6256 : i32
    %add3A_751 = vector.broadcast %add3A_750 : i32 to vector<16xi32>
    %add3A_752 = arith.addi %add3A_751, %iota3A : vector<16xi32>
    %add3A_753 = arith.constant 6250 : i32
    %add3A_754 = arith.addi %and3A_3, %add3A_753 : i32
    %lt3A_755 = vector.broadcast %add3A_754 : i32 to vector<16xi32>
    %lt3A_756 = arith.cmpi slt, %add3A_752, %lt3A_755 : vector<16xi32>
    %and3A_757 = arith.andi %and3A_749, %lt3A_756 : vector<16xi1>
    %shift_right_arithmetic3A_758 = arith.constant 17 : i32
    %shift_right_arithmetic3A_759 = vector.broadcast %shift_right_arithmetic3A_758 : i32 to vector<16xi32>
    %shift_right_arithmetic3A_760 = arith.shrsi %get3A_737, %shift_right_arithmetic3A_759 : vector<16xi32>
    %and3A_761 = arith.constant 7 : i32
    %and3A_762 = vector.broadcast %and3A_761 : i32 to vector<16xi32>
    %and3A_763 = arith.andi %shift_right_arithmetic3A_760, %and3A_762 : vector<16xi32>
    %shift_left3A_764 = arith.constant 2 : i32
    %shift_left3A_765 = vector.broadcast %shift_left3A_764 : i32 to vector<16xi32>
    %shift_left3A_766 = arith.shli %and3A_763, %shift_left3A_765 : vector<16xi32>
    %shift_left3A_767 = arith.constant 1 : i32
    %shift_left3A_768 = vector.broadcast %shift_left3A_767 : i32 to vector<16xi32>
    %shift_left3A_769 = arith.shli %shift_left3A_768, %shift_left3A_766 : vector<16xi32>
    %jit3A_770 = arith.constant 0 : i32
    %broadcast_in_dim3A_771 = vector.broadcast %jit3A_770 : i32 to vector<16xi32>
    %select_n3A_772 = arith.select %and3A_757, %shift_left3A_769, %broadcast_in_dim3A_771 : vector<16xi1>, vector<16xi32>
    %and3A_773 = arith.constant 65535 : i32
    %and3A_774 = vector.broadcast %and3A_773 : i32 to vector<16xi32>
    %and3A_775 = arith.andi %get3A_737, %and3A_774 : vector<16xi32>
    %swap3A_776 = arith.constant 48 : i32
    %swap3A_777 = arith.index_cast %swap3A_776 : i32 to index
    %swap3A_778 = arith.constant 112 : index
    %swap3A_779 = tpu.vector_load %arg6[%swap3A_777, %swap3A_778] {strides = array<i32>} : memref<49x128xi32, #tpu.memory_space<vmem>>, vector<16xi32>,
    tpu.vector_store %arg6[%swap3A_777, %swap3A_778], %and3A_775 {strides = array<i32>} : memref<49x128xi32, #tpu.memory_space<vmem>>, vector<16xi32>,
    %swap3A_780 = arith.constant 48 : i32
    %swap3A_781 = arith.index_cast %swap3A_780 : i32 to index
    %swap3A_782 = arith.constant 112 : index
    %swap3A_783 = tpu.vector_load %arg7[%swap3A_781, %swap3A_782] {strides = array<i32>} : memref<49x128xi32, #tpu.memory_space<vmem>>, vector<16xi32>,
    tpu.vector_store %arg7[%swap3A_781, %swap3A_782], %select_n3A_772 {strides = array<i32>} : memref<49x128xi32, #tpu.memory_space<vmem>>, vector<16xi32>,
    %dma_start3A_784 = arith.constant 48 : i32
    %dma_start3A_785 = arith.constant 48 : i32
    %dma_start3A_786 = arith.constant 0 : i32
    %dma_start3A_787 = tpu.memref_slice %arg7[%dma_start3A_784, %dma_start3A_786] : memref<49x128xi32, #tpu.memory_space<vmem>> -> memref<1x128xi32, #tpu.memory_space<vmem>>
    %dma_start3A_788 = tpu.memref_squeeze %dma_start3A_787 : memref<1x128xi32, #tpu.memory_space<vmem>> -> memref<128xi32, #tpu.memory_space<vmem>>
    %dma_start3A_789 = arith.constant 0 : i32
    %dma_start3A_790 = tpu.memref_slice %arg6[%dma_start3A_785, %dma_start3A_789] : memref<49x128xi32, #tpu.memory_space<vmem>> -> memref<1x128xi32, #tpu.memory_space<vmem>>
    %dma_start3A_791 = tpu.memref_squeeze %dma_start3A_790 : memref<1x128xi32, #tpu.memory_space<vmem>> -> memref<128xi32, #tpu.memory_space<vmem>>
    %dma_start3A_792 = arith.constant 0 : i32
    %dma_start3A_793 = tpu.memref_slice %arg4[%dma_start3A_792] : memref<65536xi32, #tpu.memory_space<vmem_shared>> -> memref<65536xi32, #tpu.memory_space<vmem_shared>>
    tpu.enqueue_indirect_dma source(%dma_start3A_788 : memref<128xi32, #tpu.memory_space<vmem>>) target(%dma_start3A_793 : memref<65536xi32, #tpu.memory_space<vmem_shared>>) offsets(%dma_start3A_791 : memref<128xi32, #tpu.memory_space<vmem>>) semaphore(%arg13 : memref<!tpu.dma_semaphore, #tpu.memory_space<semaphore_mem>>) {add = true}
    %scan3A_794 = arith.constant 0 : i32
    %scan3A_795 = arith.constant 49 : i32
    %scan3A_796 = arith.addi %scan3A_794, %scan3A_795 : i32
    %scan3A_797 = arith.constant 1 : i32
    scf.for %scan3A_830 = %scan3A_794 to %scan3A_796 step %scan3A_797  : i32 {
      %mul3A_831 = arith.constant 1 : i32
      %mul3A_832 = arith.muli %scan3A_830, %mul3A_831 : i32
      %add3A_833 = arith.constant 0 : i32
      %add3A_834 = arith.addi %add3A_833, %mul3A_832 : i32
      %dma_wait3A_835 = arith.constant 0 : i32
      %dma_wait3A_836 = tpu.memref_slice %arg7[%add3A_834, %dma_wait3A_835] : memref<49x128xi32, #tpu.memory_space<vmem>> -> memref<1x128xi32, #tpu.memory_space<vmem>>
      %dma_wait3A_837 = tpu.memref_squeeze %dma_wait3A_836 : memref<1x128xi32, #tpu.memory_space<vmem>> -> memref<128xi32, #tpu.memory_space<vmem>>
      %dma_wait3A_838 = arith.constant 0 : i32
      %dma_wait3A_839 = tpu.memref_slice %arg6[%add3A_834, %dma_wait3A_838] : memref<49x128xi32, #tpu.memory_space<vmem>> -> memref<1x128xi32, #tpu.memory_space<vmem>>
      %dma_wait3A_840 = tpu.memref_squeeze %dma_wait3A_839 : memref<1x128xi32, #tpu.memory_space<vmem>> -> memref<128xi32, #tpu.memory_space<vmem>>
      %dma_wait3A_841 = arith.constant 0 : i32
      %dma_wait3A_842 = tpu.memref_slice %arg4[%dma_wait3A_841] : memref<65536xi32, #tpu.memory_space<vmem_shared>> -> memref<65536xi32, #tpu.memory_space<vmem_shared>>
      tpu.wait_indirect_dma semaphore(%arg13 : memref<!tpu.dma_semaphore, #tpu.memory_space<semaphore_mem>>) src(%dma_wait3A_837 : memref<128xi32, #tpu.memory_space<vmem>>) dst(%dma_wait3A_842 : memref<65536xi32, #tpu.memory_space<vmem_shared>>)
    }
    %scan3A_798 = arith.constant 49 : i32
    %barrier3A_799 = arith.constant 0 : index
    tpu.barrier barrier_id(%barrier3A_799)
    %mul3A_800 = arith.constant 4096 : i32
    %mul3A_801 = arith.muli %arg1, %mul3A_800 : i32
    %dma_start3A_802 = tpu.memref_slice %arg4[%mul3A_801] : memref<65536xi32, #tpu.memory_space<vmem_shared>> -> memref<2048xi32, #tpu.memory_space<vmem_shared>>
    %dma_start3A_803 = tpu.memref_slice %arg4[%mul3A_801] : memref<65536xi32, #tpu.memory_space<vmem_shared>> -> memref<2048xi32, #tpu.memory_space<vmem_shared>>
    tpu.enqueue_dma source(%dma_start3A_803 : memref<2048xi32, #tpu.memory_space<vmem_shared>>) target(%arg9 : memref<2048xi32, #tpu.memory_space<vmem>>) target_semaphore(%arg12 : memref<!tpu.dma_semaphore, #tpu.memory_space<semaphore_mem>>)
    %mul3A_804 = arith.constant 4096 : i32
    %mul3A_805 = arith.muli %arg1, %mul3A_804 : i32
    %add3A_806 = arith.constant 2048 : i32
    %add3A_807 = arith.addi %mul3A_805, %add3A_806 : i32
    %dma_start3A_808 = tpu.memref_slice %arg4[%add3A_807] : memref<65536xi32, #tpu.memory_space<vmem_shared>> -> memref<2048xi32, #tpu.memory_space<vmem_shared>>
    %dma_start3A_809 = tpu.memref_slice %arg4[%add3A_807] : memref<65536xi32, #tpu.memory_space<vmem_shared>> -> memref<2048xi32, #tpu.memory_space<vmem_shared>>
    tpu.enqueue_dma source(%dma_start3A_809 : memref<2048xi32, #tpu.memory_space<vmem_shared>>) target(%arg10 : memref<2048xi32, #tpu.memory_space<vmem>>) target_semaphore(%arg11 : memref<!tpu.dma_semaphore, #tpu.memory_space<semaphore_mem>>)
    %dma_wait3A_810 = tpu.memref_slice %arg4[%mul3A_801] : memref<65536xi32, #tpu.memory_space<vmem_shared>> -> memref<2048xi32, #tpu.memory_space<vmem_shared>>
    %dma_wait3A_811 = tpu.memref_slice %arg4[%mul3A_801] : memref<65536xi32, #tpu.memory_space<vmem_shared>> -> memref<2048xi32, #tpu.memory_space<vmem_shared>>
    tpu.wait_dma2 semaphore(%arg12 : memref<!tpu.dma_semaphore, #tpu.memory_space<semaphore_mem>>) src(%dma_wait3A_811 : memref<2048xi32, #tpu.memory_space<vmem_shared>>) dst(%arg9 : memref<2048xi32, #tpu.memory_space<vmem>>)
    %mul3A_812 = arith.constant 4096 : i32
    %mul3A_813 = arith.muli %arg1, %mul3A_812 : i32
    %add3A_814 = arith.addi %mul3A_0, %mul3A_813 : i32
    %dma_start3A_815 = tpu.memref_slice %arg3[%add3A_814] : memref<131072xi32, #tpu.memory_space<hbm>> -> memref<2048xi32, #tpu.memory_space<hbm>>
    %dma_start3A_816 = tpu.memref_slice %arg3[%add3A_814] : memref<131072xi32, #tpu.memory_space<hbm>> -> memref<2048xi32, #tpu.memory_space<hbm>>
    tpu.enqueue_dma source(%arg9 : memref<2048xi32, #tpu.memory_space<vmem>>) target(%dma_start3A_816 : memref<2048xi32, #tpu.memory_space<hbm>>) target_semaphore(%arg12 : memref<!tpu.dma_semaphore, #tpu.memory_space<semaphore_mem>>)
    %dma_wait3A_817 = tpu.memref_slice %arg4[%add3A_807] : memref<65536xi32, #tpu.memory_space<vmem_shared>> -> memref<2048xi32, #tpu.memory_space<vmem_shared>>
    %dma_wait3A_818 = tpu.memref_slice %arg4[%add3A_807] : memref<65536xi32, #tpu.memory_space<vmem_shared>> -> memref<2048xi32, #tpu.memory_space<vmem_shared>>
    tpu.wait_dma2 semaphore(%arg11 : memref<!tpu.dma_semaphore, #tpu.memory_space<semaphore_mem>>) src(%dma_wait3A_818 : memref<2048xi32, #tpu.memory_space<vmem_shared>>) dst(%arg10 : memref<2048xi32, #tpu.memory_space<vmem>>)
    %mul3A_819 = arith.constant 4096 : i32
    %mul3A_820 = arith.muli %arg1, %mul3A_819 : i32
    %add3A_821 = arith.addi %mul3A_0, %mul3A_820 : i32
    %add3A_822 = arith.constant 2048 : i32
    %add3A_823 = arith.addi %add3A_821, %add3A_822 : i32
    %dma_start3A_824 = tpu.memref_slice %arg3[%add3A_823] : memref<131072xi32, #tpu.memory_space<hbm>> -> memref<2048xi32, #tpu.memory_space<hbm>>
    %dma_start3A_825 = tpu.memref_slice %arg3[%add3A_823] : memref<131072xi32, #tpu.memory_space<hbm>> -> memref<2048xi32, #tpu.memory_space<hbm>>
    tpu.enqueue_dma source(%arg10 : memref<2048xi32, #tpu.memory_space<vmem>>) target(%dma_start3A_825 : memref<2048xi32, #tpu.memory_space<hbm>>) target_semaphore(%arg11 : memref<!tpu.dma_semaphore, #tpu.memory_space<semaphore_mem>>)
    %dma_wait3A_826 = tpu.memref_slice %arg3[%add3A_814] : memref<131072xi32, #tpu.memory_space<hbm>> -> memref<2048xi32, #tpu.memory_space<hbm>>
    %dma_wait3A_827 = tpu.memref_slice %arg3[%add3A_814] : memref<131072xi32, #tpu.memory_space<hbm>> -> memref<2048xi32, #tpu.memory_space<hbm>>
    tpu.wait_dma2 semaphore(%arg12 : memref<!tpu.dma_semaphore, #tpu.memory_space<semaphore_mem>>) src(%arg9 : memref<2048xi32, #tpu.memory_space<vmem>>) dst(%dma_wait3A_827 : memref<2048xi32, #tpu.memory_space<hbm>>)
    %dma_wait3A_828 = tpu.memref_slice %arg3[%add3A_823] : memref<131072xi32, #tpu.memory_space<hbm>> -> memref<2048xi32, #tpu.memory_space<hbm>>
    %dma_wait3A_829 = tpu.memref_slice %arg3[%add3A_823] : memref<131072xi32, #tpu.memory_space<hbm>> -> memref<2048xi32, #tpu.memory_space<hbm>>
    tpu.wait_dma2 semaphore(%arg11 : memref<!tpu.dma_semaphore, #tpu.memory_space<semaphore_mem>>) src(%arg10 : memref<2048xi32, #tpu.memory_space<vmem>>) dst(%dma_wait3A_829 : memref<2048xi32, #tpu.memory_space<hbm>>)
    return
  }
}

</mosaic_0001>

<sc_bundles>
// kernel: kernel.3.cloned.1.call-start
scs
__scs_entry_jumppad:
0x0: {  	(pc) =	sbr.rel $0x88, $3  }
0x1: {  	(tag) =	ssettag $0x0;
	lr =	simm.s32 $0x1  }
0x2: {  	[smem:$0x3FA0] =	sst lr;
	_ =	strace $0xD0000000  }
0x3: {  	_ = 	snop  }
0x4: {  	_ = 	snop  }
0x5: {  	_ = 	snop  }
0x6: {  	_ = 	snop  }
0x7: {  	_ = 	snop  }
__scs_overlays_trampoline_lowered:
0x8: {  	[smem:$0x3FAF] =	sst s0  }
0x9: {  	[smem:$0x3FB0] =	sst s1  }
0xa: {  	[smem:$0x3FB1] =	sst s2  }
0xb: {  	[smem:$0x3FB2] =	sst s3  }
0xc: {  	[smem:$0x3FB3] =	sst s4  }
0xd: {  	[smem:$0x3FB4] =	sst s5  }
0xe: {  	[smem:$0x3FB5] =	sst s6  }
0xf: {  	[smem:$0x3FB6] =	sst s7  }
0x10: {  	[smem:$0x3FB7] =	sst s8  }
0x11: {  	[smem:$0x3FB8] =	sst s9;
	s0 =	simm.s32 @!p0 $0x0  }
0x12: {  	s1 =	sld [smem:$0x3F9E];
	s0 =	simm.s32 @p0 $0x1  }
0x13: {  	[smem:$0x3FB9] =	sst s0;
	s0 =	simm.s32 @!p1 $0x0  }
0x14: {  	s2 =	sld [smem:$0x3F9D];
	s0 =	simm.s32 @p1 $0x1  }
0x15: {  	[smem:$0x3FBA] =	sst s0;
	s0 =	simm.s32 @!p2 $0x0  }
0x16: {  	s3 =	sld [smem:$0x3FDB];
	s0 =	simm.s32 @p2 $0x1  }
0x17: {  	s4 =	simm.s32 $0x1BF5;
	[smem:$0x3FBC] =	sst s0  }
0x18: {  	s0 =	sld [smem:$0x3F9F];
	_ =	swait.ge [sflag:s4], $0x0  }
0x19: {  	s7 =	sld [smem:$0x3FA0]  }
0x1a: {  	s8 =	sadd.s32 $0xFFFFE003, lr  }
0x1b: {  	s9 =	sadd.s32 $0xFFFFFEF7, lr;
	s5 =	simm.s32 $0xFFFFFFFF;
	p2 =	slt.u32 s8, $0xFFFFF086  }
0x1c: {  	p1 =	slt.u32 s9, $0xF7A;
	s5 =	simm.s32 @!p2 $0x0  }
0x1d: {  	s5 =	simm.s32 @p1 $0x1;
	p0 =	seq.s32 s7, s2  }
0x1e: {  	s7 =	smul.u32 @!p0 $0xF7A, s2;
	p2 =	seq.s32 @!p0 s5, $0x0  }
0x1f: {  	s9 =	smul.u32 $0xF7A, s1;
	s8 =	simm.s32 @!p0 $0x1BF5;
	p2 =	por !p2, p0  }
0x20: {  	[sflag:s8] =	ssyncset.s32 @!p0 $0xFFFFF086;
	s6 =	sadd.s32 @!p0 s3, s7;
	s7 =	simm.s32 @!p0 $0x108  }
0x21: {  	s3 =	sadd.s32 s3, s9;
	s6 =	sadd.s32 @!p0 $0x88, s6;
	s7 =	simm.s32 @p2 $0x1082  }
0x22: {  	[simem:s7], [sflag:s8] =	dma.local @!p0 [hbm:s6], $0xF7A  }
0x23: {  	s9 =	sor.u32 $0xD0000000, s2;
	s6 =	simm.s32 $0x108;
	_ =	swait.ge @!p0 [sflag:s8], $0x0  }
0x24: {  	s3 =	sadd.s32 $0x88, s3;
	s6 =	simm.s32 @!p1 $0x1082;
	[sflag:s4] =	ssyncset.s32 $0xFFFFF086  }
0x25: {  	[simem:s6], [sflag:s4] =	dma.local [hbm:s3], $0xF7A  }
0x26: {  	[smem:$0x3FA0] =	sst s1;
	(tag) =	ssettag s2;
	_ =	strace s9  }
0x27: {  	s1 =	sld [smem:$0x3FB0]  }
0x28: {  	s2 =	sld [smem:$0x3FB1]  }
0x29: {  	s4 =	sld [smem:$0x3FB3]  }
0x2a: {  	p0 =	seq.s32 s5, $0x0;
	s5 =	sld [smem:$0x3FB4]  }
0x2b: {  	s6 =	sld [smem:$0x3FB5]  }
0x2c: {  	s7 =	sld [smem:$0x3FB6]  }
0x2d: {  	s3 =	simm.s32 $0x108;
	s8 =	sld [smem:$0x3FB7]  }
0x2e: {  	s3 =	simm.s32 @!p0 $0x1082;
	s9 =	sld [smem:$0x3FB8]  }
0x2f: {  	lr =	sadd.s32 s0, s3;
	s0 =	sld [smem:$0x3FAF]  }
0x30: {  	s3 =	sld [smem:$0x3FB2]  }
0x31: {  	[smem:$0x3FBB] =	sst s10  }
0x32: {  	s10 =	sld [smem:$0x3FB9];
	_ =	sdelay $0x3  }
0x33: {  	p0 =	seq.s32 s10, $0x1;
	s10 =	sld [smem:$0x3FBB];
	_ =	sdelay $0x3  }
0x34: {  	[smem:$0x3FBB] =	sst s10  }
0x35: {  	s10 =	sld [smem:$0x3FBA];
	_ =	sdelay $0x3  }
0x36: {  	p1 =	seq.s32 s10, $0x1;
	s10 =	sld [smem:$0x3FBB];
	_ =	sdelay $0x3  }
0x37: {  	[smem:$0x3FBB] =	sst s10  }
0x38: {  	s10 =	sld [smem:$0x3FBC]  }
0x39: {  	_ = 	snop;
	(pc) =	sbr.ind lr, $3  }
0x3a: {  	_ = 	snop  }
0x3b: {  	_ = 	snop  }
0x3c: {  	p2 =	seq.s32 s10, $0x1;
	s10 =	sld [smem:$0x3FBB]  }
0x3d: {  	_ =	shalt  }
0x3e: {  	_ =	shalt  }
0x3f: {  	_ =	shalt  }
0x40: {  	_ =	shalt  }
0x41: {  	_ =	shalt  }
0x42: {  	_ =	shalt  }
0x43: {  	_ =	shalt  }
0x44: {  	_ =	shalt  }
0x45: {  	_ =	shalt  }
0x46: {  	_ =	shalt  }
0x47: {  	_ =	shalt  }
0x48: {  	_ =	shalt  }
0x49: {  	_ =	shalt  }
0x4a: {  	_ =	shalt  }
0x4b: {  	_ =	shalt  }
0x4c: {  	_ =	shalt  }
0x4d: {  	_ =	shalt  }
0x4e: {  	_ =	shalt  }
0x4f: {  	_ =	shalt  }
0x50: {  	_ =	shalt  }
0x51: {  	_ =	shalt  }
0x52: {  	_ =	shalt  }
0x53: {  	_ =	shalt  }
0x54: {  	_ =	shalt  }
0x55: {  	_ =	shalt  }
0x56: {  	_ =	shalt  }
0x57: {  	_ =	shalt  }
0x58: {  	_ =	shalt  }
0x59: {  	_ =	shalt  }
0x5a: {  	_ =	shalt  }
0x5b: {  	_ =	shalt  }
0x5c: {  	_ =	shalt  }
0x5d: {  	_ =	shalt  }
0x5e: {  	_ =	shalt  }
0x5f: {  	_ =	shalt  }
0x60: {  	_ =	shalt  }
0x61: {  	_ =	shalt  }
0x62: {  	_ =	shalt  }
0x63: {  	_ =	shalt  }
0x64: {  	_ =	shalt  }
0x65: {  	_ =	shalt  }
0x66: {  	_ =	shalt  }
0x67: {  	_ =	shalt  }
0x68: {  	_ =	shalt  }
0x69: {  	_ =	shalt  }
0x6a: {  	_ =	shalt  }
0x6b: {  	_ =	shalt  }
0x6c: {  	_ =	shalt  }
0x6d: {  	_ =	shalt  }
0x6e: {  	_ =	shalt  }
0x6f: {  	_ =	shalt  }
0x70: {  	_ =	shalt  }
0x71: {  	_ =	shalt  }
0x72: {  	_ =	shalt  }
0x73: {  	_ =	shalt  }
0x74: {  	_ =	shalt  }
0x75: {  	_ =	shalt  }
0x76: {  	_ =	shalt  }
0x77: {  	_ =	shalt  }
0x78: {  	_ =	shalt  }
0x79: {  	_ =	shalt  }
0x7a: {  	_ =	shalt  }
0x7b: {  	_ =	shalt  }
0x7c: {  	_ =	shalt  }
0x7d: {  	_ =	shalt  }
0x7e: {  	_ =	shalt  }
0x7f: {  	_ =	shalt  }
0x80: {  	_ =	shalt  }
0x81: {  	_ =	shalt  }
0x82: {  	_ =	shalt  }
0x83: {  	_ =	shalt  }
0x84: {  	_ =	shalt  }
0x85: {  	_ =	shalt  }
0x86: {  	_ =	shalt  }
0x87: {  	_ =	shalt  }
.Lfunc_end0:
.L_simem_size_0:
called_computation_lowered:
.L_overlay_start_0:
0x88: {  	s2 =	sld [smem:$0x3FD9]  }
0x89: {  	s3 =	sld [smem:$0x3FFE];
	_ =	sdelay $0x1  }
0x8a: {  	s1 =	srdreg.scid  }
0x8b: {  	s0 =	sand.u32 $0x1, s1  }
0x8c: {  	s18 =	sshll.u32 s0, $0xA;
	s2 =	sadd.s32 s3, s2  }
0x8d: {  	s2 =	sadd.s32 s2, s18  }
0x8e: {  	[smem:$0x3FC7] =	sst s2  }
0x8f: {  	_ = 	snop  }
0x90: {  	s2 =	sld [smem:$0x3FC9]  }
0x91: {  	s19 =	sld [smem:$0x3FD0];
	(tm) =	ssettm $0x1  }
0x92: {  	s4 =	sld [smem:$0x3FFB];
	_ =	sdelay $0x3  }
0x93: {  	_ =	strace s4  }
0x94: {  	s4 =	sld [smem:$0x3FFC];
	_ =	sdelay $0x3  }
0x95: {  	_ =	strace s4  }
0x96: {  	s4 =	sld [smem:$0x3FFD];
	_ =	sdelay $0x3  }
0x97: {  	_ =	strace s4  }
0x98: {  	_ =	strace $0x8FFFFFFF  }
0x99: {  	s20 =	sld [smem:$0x3FDB];
	_ =	sdelay $0x1  }
0x9a: {  	s5 =	simm.s32 $_scs_section_size  }
0x9b: {  	s6 =	simm.s32 $_size__tile_overlayer_lowered;
	s7 =	simm.s32 $_tile_overlayer_lowered  }
0x9c: {  	s23 =	simm.s32 $0x1BFF;
	s22 =	sshll.u32 s7, $0x1;
	s4 =	sadd.s32 s5, s20  }
0x9d: {  	s8 =	simm.s32 $0x0;
	s21 =	sshll.u32 s6, $0x1;
	s6 =	sadd.s32 s22, s4  }
0x9e: {  	[timem:s8], [sflag:s23] =	dma.local [hbm:s6], s21  }
0x9f: {  	_ =	swait.ge [sflag:s23], s21  }
0xa0: {  	s5 =	ssub.s32 $0x0, s21;
	[sflag:s23] =	ssyncset.done $0x0  }
0xa1: {  	[sflag:s23] =	ssyncadd.s32 s5;
	_ =	sdelay $0x1  }
0xa2: {  	s24 =	simm.s32 $0x1B8B  }
0xa3: {  	_ =	swait.ge [sflag:s24], $0x1  }
0xa4: {  	[sflag:s24] =	ssyncset.done $0x0  }
0xa5: {  	s25 =	simm.s32 $0x1B8E;
	[sflag:s24] =	ssyncadd.s32 $0xFFFFFFFF  }
0xa6: {  	s26 =	simm.s32 $execute0_lowered;
	[smem:$0x3FD2] =	sst s25  }
0xa7: {  	s5 =	sshll.u32 s26, $0x1;
	_ =	strace $0x80000046;
	[dreg:$0x1] =	wrdreg $0xFFFFFFFF  }
0xa8: {  	s28 =	simm.s32 $_size_execute0_lowered;
	s4 =	sadd.s32 s4, s5;
	[dreg:$0x0] =	wrdreg $0x0  }
0xa9: {  	s5 =	sshll.u32 s28, $0x1;
	[dreg:$0x2] =	wrdreg s4  }
0xaa: {  	[dreg:$0x3] =	wrdreg s5  }
0xab: {  	[dreg:$0x4] =	wrdreg $0xC0  }
0xac: {  	_ =	task [dreg:s8], $0x5FFFF  }
0xad: {  	[dreg:$0x1] =	wrdreg $0xFFFFFFFF  }
0xae: {  	[dreg:$0x0] =	wrdreg $0x60  }
0xaf: {  	[dreg:$0x2] =	wrdreg s2  }
0xb0: {  	[dreg:$0x3] =	wrdreg s19  }
0xb1: {  	[dreg:$0x4] =	wrdreg $0x0  }
0xb2: {  	[dreg:$0x5] =	wrdreg $0x9  }
0xb3: {  	_ =	task.clear_ibuf [dreg:s8], $0x6FFFF;
	_ =	strace $0x90000046  }
0xb4: {  	s29 =	simm.s32 $0x9;
	_ =	strace $0x80000048  }
0xb5: {  	_ =	swait.ge [sflag:s29], $0x1  }
0xb6: {  	[sflag:s29] =	ssyncadd.s32 $0xFFFFFFFF  }
0xb7: {  	_ =	strace $0x90000048  }
0xb8: {  	_ =	sfence  }
0xb9: {  	s30 =	sld [smem:$0x0];
	_ =	sdelay $0x2  }
0xba: {  	s31 =	sshll.u32 s1, $0xD;
	s1 =	sshrl.u32 s1, $0x2  }
0xbb: {  	s3 =	sand.u32 $0x4000, s31;
	s1 =	sadd.s32 s1, s30  }
0xbc: {  	s0 =	sor.u32 s3, s0;
	s1 =	sshll.u32 s1, $0x11  }
0xbd: {  	s0 =	sor.u32 s1, s0  }
0xbe: {  	s0 =	sadd.s32 $0x8F2B, s0  }
0xbf: {  	[sflag:s0] =	ssyncadd.remote.s32 $0x1  }
0xc0: {  	_ =	sfence.sel $0xFFFF  }
0xc1: {  	[dreg:$0x0] =	wrdreg $0xFFFFFFFF;
	(pc) =	sbr.abs _section_cstart, $3  }
0xc2: {  	[dreg:$0x1] =	wrdreg $0xFFFFFFFF  }
0xc3: {  	_ =	task.clear_ibuf [dreg:s8], $0x2FFFF;
	_ =	strace $0x9FFFFFFF  }
0xc4: {  	(tm) =	ssettm $0x7FFFFFFF  }
0xc5: {  	_ =	shalt  }
tec
execute0_lowered:
.L_overlay_start_1:
0x0: {  	(tag) =	ssettag $0x1  }
0x1: {  	s4 =	rddreg [dreg:$0x0]  }
0x2: {  	s7 =	rddreg [dreg:$0x1]  }
0x3: {  	s1 =	rddreg [dreg:$0x2];
	s2 =	srdreg.scid  }
0x4: {  	s0 =	rddreg [dreg:$0x3];
	s3 =	simm.s32 $0x0;
	s13 =	simm.s32 $0x1  }
0x5: {  	s14 =	simm.s32 $0x80;
	s15 =	simm.s32 $0x2880;
	s16 =	simm.s32 $0x4480  }
0x6: {  	s17 =	simm.s32 $0x4080;
	s18 =	simm.s32 $0x5C80;
	s19 =	simm.s32 $0x3  }
0x7: {  	s20 =	simm.s32 $0x7080;
	s21 =	simm.s32 $0x7880;
	s22 =	simm.s32 $0x0  }
0x8: {  	s6 =	sand.u32 $0x1, s2;
	[smem:$0x7FF] =	sst s3;
	s2 =	stileid.u32  }
0x9: {  	v3 =	vlaneseq.u32;
	s5 =	ssub.s32 $0x2, s6;
	_ =	strace $0x80000047;
	s9 =	smul.u32 $0x186A, s2  }
0xa: {  	v1 =	vadd.s32 $0x71, v3;
	v5 =	vadd.s32 $0x31, v3;
	s28 =	sshll.u32 s6, $0x10;
	s29 =	sshll.u32 s2, $0xC;
	s8 =	sshrl.u32 s5, $0x1  }
0xb: {  	v61 =	vadd.s32 $0x11, v3;
	v62 =	vadd.s32 $0x1, v3;
	v63 =	vor.u32 $0x1870, v3;
	s12 =	sor.u32 s29, s28;
	s10 =	ssub.s32 s5, s8;
	s11 =	sand.u32 $0x6, s9  }
0xc: {  	v3 =	vor.u32 $0x1860, v3;
	v0 =	vmov s6;
	s9 =	sshrl.u32 s9, $0x3;
	s5 =	sadd.s32 s29, s1;
	v2 =	vmov s11;
	s31 =	sadd.s32 $0x186A, s11  }
0xd: {  	s30 =	sshrl.u32 s12, $0x3;
	s12 =	simm.s32 $0x2;
	s4 =	sadd.s32 s4, s9;
	v4 =	vmov s31;
	vm0 =	vlt.u32 v2, v1;
	vm1 =	vlt.u32 v2, v5  }
0xe: {  	s6 =	sadd.s32 $0x800, s5;
	s7 =	sadd.s32 s7, s30;
	s9 =	smax.u32 s10, $0x1;
	v1 =	vimm.s32 $0x0;
	vm2 =	vlt.u32 v2, v61;
	vm3 =	vlt.u32 v2, v62  }
0xf: {  	s10 =	simm.s32 $0x1000;
	s11 =	simm.s32 $0x6080;
	s8 =	sadd.s32 $0x100, s7;
	v2 =	vimm.s32 $0x1;
	vm4 =	vgt.u32 v4, v63;
	vm5 =	vgt.u32 v4, v3  }
.LBB2_1:
0x10: {  	[tilespmem:s10], [sflag:$0x1] =	stream.linear.gather [hbm4b:s4+s3], $0x1870, $0x38;
	[tilespmem:$0x8080] =	vst v63  }
0x11: {  	s23 =	simm.s32 $0x40;
	s24 =	simm.s32 $0x0  }
.LBB2_2:
0x12: {  	p0 =	sne.s32 s23, $0x3FC0;
	[tilespmem:s24+$0x6080] =	vst v1;
	s24 =	smov.u32 s23;
	s23 =	sadd.s32 $0x40, s23  }
.Ltmp0:
0x13: {  	(pc) =	sbr.rel @p0 .LBB2_2-.Ltmp0, $2  }
0x14: {  	_ =	sdelay $0x2  }
0x15: {  	s24 =	sshra.s32 s24, $0x2  }
0x16: {  	[tilespmem:s24+$0x6080] =	vst v1  }
0x17: {  	[spmem:s5] =	stream.linear.scatter [tilespmem:s11], [sflag:$0x2], $0x1000, $0x38;
	[tilespmem:$0x8080] =	vst v63  }
0x18: {  	_ =	swait.ge [sflag:s12], $0x1000  }
0x19: {  	[sflag:s12] =	ssyncset.done $0x0  }
0x1a: {  	[sflag:s12] =	ssyncadd.s32 $0xFFFFF000  }
0x1b: {  	[bflag:$0x0] =	sbarrier.arrive $0xFFFF  }
0x1c: {  	_ =	swait.ge [sflag:s13], $0x1870  }
0x1d: {  	[sflag:s13] =	ssyncset.done $0x0  }
0x1e: {  	[sflag:s13] =	ssyncadd.s32 $0xFFFFE790  }
0x1f: {  	v3 =	vld [tilespmem:$0x1000]  }
0x20: {  	v4 =	vld [tilespmem:$0x1010]  }
0x21: {  	v7 =	vld [tilespmem:$0x1020]  }
0x22: {  	v11 =	vld [tilespmem:$0x1040];
	_ =	sdelay $0x2  }
0x23: {  	v5 =	vshrl.u32 v3, $0x10;
	vm6 =	vgt.s32 v3, $0xFFFFFFFF  }
0x24: {  	v6 =	vshrl.u32 v4, $0x10;
	v9 =	vshrl.u32 v7, $0x10;
	v10 =	vshrl.u32 v7, $0xF  }
0x25: {  	v13 =	vshrl.u32 v11, $0x10;
	v61 =	vshrl.u32 v11, $0xF;
	v5 =	vand.u32 $0x1, v5  }
0x26: {  	v6 =	vand.u32 $0x1, v6;
	v9 =	vand.u32 $0x1, v9;
	vm7 =	veq.s32 v5, v0  }
0x27: {  	v8 =	vld [tilespmem:$0x1030];
	v5 =	vshrl.u32 v3, $0xF;
	vm8 =	veq.s32 v6, v0;
	v6 =	vshrl.u32 v4, $0xF  }
0x28: {  	v3 =	vand.u32 $0xFFFF, v3;
	vm6 =	vmand vm6, vm7;
	v5 =	vand.u32 $0x1C, v5  }
0x29: {  	vm7 =	vgt.s32 v4, $0xFFFFFFFF;
	v6 =	vand.u32 $0x1C, v6;
	v4 =	vand.u32 $0xFFFF, v4  }
0x2a: {  	vm6 =	vmand vm3, vm6;
	v5 =	vshll.u32 v2, v5;
	v6 =	vshll.u32 v2, v6  }
0x2b: {  	v5 =	vnsel vm6, $0x0, v5;
	vm6 =	vmand vm7, vm8;
	vm7 =	veq.s32 v9, v0  }
0x2c: {  	v12 =	vld [tilespmem:$0x1050];
	v9 =	vand.u32 $0x1C, v10;
	v10 =	vshrl.u32 v8, $0x10;
	vm6 =	vmand vm2, vm6  }
0x2d: {  	v9 =	vshll.u32 v2, v9;
	v10 =	vand.u32 $0x1, v10;
	[tilespmem:$0x4480] =	vst v5;
	v5 =	vand.u32 $0x1C, v61  }
0x2e: {  	v6 =	vnsel vm6, $0x0, v6;
	vm6 =	vgt.s32 v7, $0xFFFFFFFF;
	v7 =	vand.u32 $0xFFFF, v7  }
0x2f: {  	[tilespmem:$0x2880] =	vst v3;
	vm6 =	vmand vm6, vm7;
	vm7 =	veq.s32 v10, v0;
	v10 =	vshrl.u32 v8, $0xF  }
0x30: {  	[tilespmem:$0x2890] =	vst v4;
	v4 =	vshll.u32 v2, v5;
	v5 =	vand.u32 $0xFFFF, v8;
	v10 =	vand.u32 $0x1C, v10  }
0x31: {  	[tilespmem:$0x4490] =	vst v6;
	v6 =	vshrl.u32 v12, $0x10;
	v3 =	vshll.u32 v2, v10;
	v10 =	vand.u32 $0x1, v13  }
0x32: {  	v9 =	vnsel vm6, $0x0, v9;
	vm6 =	vgt.s32 v8, $0xFFFFFFFF;
	vm8 =	veq.s32 v10, v0;
	v10 =	vld [tilespmem:$0x1060]  }
0x33: {  	[tilespmem:$0x28A0] =	vst v7;
	v7 =	vand.u32 $0xFFFF, v11;
	v6 =	vand.u32 $0x1, v6;
	vm6 =	vmand vm6, vm7  }
0x34: {  	v8 =	vshrl.u32 v12, $0xF;
	vm7 =	vgt.s32 v11, $0xFFFFFFFF;
	vm6 =	vmand vm1, vm6  }
0x35: {  	v11 =	vld [tilespmem:$0x1070];
	v3 =	vnsel vm6, $0x0, v3;
	vm6 =	vmand vm7, vm8;
	vm7 =	veq.s32 v6, v0  }
0x36: {  	[tilespmem:$0x28B0] =	vst v5;
	v6 =	vand.u32 $0x1C, v8;
	v4 =	vnsel vm6, $0x0, v4;
	vm6 =	vgt.s32 v12, $0xFFFFFFFF  }
0x37: {  	[tilespmem:$0x28C0] =	vst v7;
	v5 =	vshll.u32 v2, v6;
	vm6 =	vmand vm6, vm7;
	v6 =	vshrl.u32 v10, $0x10  }
0x38: {  	[tilespmem:$0x44B0] =	vst v3;
	v3 =	vnsel vm6, $0x0, v5;
	v5 =	vand.u32 $0xFFFF, v12;
	v6 =	vand.u32 $0x1, v6  }
0x39: {  	[tilespmem:$0x44C0] =	vst v4;
	vm6 =	vgt.s32 v10, $0xFFFFFFFF;
	vm7 =	veq.s32 v6, v0;
	v6 =	vshrl.u32 v10, $0xF  }
0x3a: {  	[tilespmem:$0x28D0] =	vst v5;
	v5 =	vand.u32 $0xFFFF, v10;
	v4 =	vand.u32 $0x1C, v6;
	v6 =	vshrl.u32 v11, $0x10  }
0x3b: {  	[tilespmem:$0x44D0] =	vst v3;
	v3 =	vshrl.u32 v11, $0xF;
	vm6 =	vmand vm6, vm7;
	v6 =	vand.u32 $0x1, v6  }
0x3c: {  	[tilespmem:$0x44A0] =	vst v9;
	vm7 =	vgt.s32 v11, $0xFFFFFFFF;
	v4 =	vshll.u32 v2, v4;
	vm8 =	veq.s32 v6, v0  }
0x3d: {  	[tilespmem:$0x28E0] =	vst v5;
	v3 =	vand.u32 $0x1C, v3;
	v4 =	vnsel vm6, $0x0, v4;
	vm6 =	vmand vm7, vm8  }
0x3e: {  	v3 =	vshll.u32 v2, v3;
	[tilespmem:$0x44E0] =	vst v4;
	v4 =	vand.u32 $0xFFFF, v11;
	vm6 =	vmand vm0, vm6  }
0x3f: {  	[tilespmem:$0x28F0] =	vst v4;
	v3 =	vnsel vm6, $0x0, v3  }
0x40: {  	s23 =	simm.s32 $0x0;
	[tilespmem:$0x44F0] =	vst v3  }
0x41: {  	[spmem:s1] =	stream.indirect.scatter.add.s32 [tilespmem:s16], [sflag:$0x3], $0x1, s15, s14, $0xb8;
	[tilespmem:$0x8080] =	vst v63  }
0x42: {  	v3 =	vld [tilespmem:s23+$0x1080];
	_ =	sdelay $0x2  }
0x43: {  	v4 =	vld [tilespmem:s23+$0x1090];
	_ =	sdelay $0x1  }
0x44: {  	v5 =	vshrl.u32 v3, $0x10  }
0x45: {  	v10 =	vld [tilespmem:s23+$0x10B0];
	v6 =	vshrl.u32 v3, $0xF;
	v7 =	vand.u32 $0xFFFF, v3;
	v5 =	vand.u32 $0x1, v5  }
0x46: {  	vm6 =	vgt.s32 v3, $0xFFFFFFFF;
	v3 =	vand.u32 $0x1C, v6;
	vm7 =	veq.s32 v5, v0;
	v5 =	vld [tilespmem:s23+$0x10A0]  }
0x47: {  	v6 =	vshrl.u32 v4, $0x10;
	v3 =	vshll.u32 v2, v3;
	vm6 =	vmand vm6, vm7  }
0x48: {  	v9 =	vnsel vm6, $0x0, v3;
	v3 =	vand.u32 $0x1, v6;
	v6 =	vshrl.u32 v4, $0xF  }
0x49: {  	v14 =	vld [tilespmem:s23+$0x10C0];
	vm6 =	vgt.s32 v4, $0xFFFFFFFF;
	vm7 =	veq.s32 v3, v0;
	v3 =	vand.u32 $0x1C, v6  }
0x4a: {  	v11 =	vand.u32 $0xFFFF, v4;
	vm6 =	vmand vm6, vm7;
	v3 =	vshll.u32 v2, v3  }
0x4b: {  	vm8 =	vgt.s32 v10, $0xFFFFFFFF;
	v62 =	vnsel vm6, $0x0, v3;
	v3 =	vshrl.u32 v5, $0xF  }
0x4c: {  	v63 =	vand.u32 $0xFFFF, v5;
	vm6 =	vgt.s32 v5, $0xFFFFFFFF;
	v3 =	vand.u32 $0x1C, v3  }
0x4d: {  	[tilespmem:s23+$0x2900] =	vst v7;
	v4 =	vshrl.u32 v5, $0x10;
	v5 =	vshll.u32 v2, v3;
	v3 =	vshrl.u32 v10, $0x10  }
0x4e: {  	v7 =	vand.u32 $0xFFFF, v10;
	[tilespmem:s23+$0x4500] =	vst v9;
	v9 =	vshrl.u32 v14, $0xF;
	v3 =	vand.u32 $0x1, v3  }
0x4f: {  	v6 =	vand.u32 $0xFFFF, v14;
	v4 =	vand.u32 $0x1, v4;
	vm9 =	veq.s32 v3, v0;
	v3 =	vld [tilespmem:s23+$0x10D0]  }
0x50: {  	v9 =	vand.u32 $0x1C, v9;
	vm7 =	veq.s32 v4, v0;
	v4 =	vshrl.u32 v10, $0xF  }
0x51: {  	v9 =	vshll.u32 v2, v9;
	v4 =	vand.u32 $0x1C, v4;
	vm6 =	vmand vm6, vm7  }
0x52: {  	v4 =	vshll.u32 v2, v4;
	v8 =	vnsel vm6, $0x0, v5;
	v5 =	vshrl.u32 v14, $0x10  }
0x53: {  	[tilespmem:s23+$0x2910] =	vst v11;
	vm6 =	vgt.s32 v14, $0xFFFFFFFF;
	vm7 =	vmand vm8, vm9;
	v10 =	vand.u32 $0x1, v5;
	v5 =	vld [tilespmem:s23+$0x10E0]  }
0x54: {  	[tilespmem:s23+$0x4510] =	vst v62;
	v4 =	vnsel vm7, $0x0, v4;
	vm7 =	veq.s32 v10, v0;
	v10 =	vshrl.u32 v3, $0x10  }
0x55: {  	s24 =	simm.s32 $0x200;
	[tilespmem:s23+$0x2920] =	vst v63;
	vm6 =	vmand vm6, vm7;
	v11 =	vshrl.u32 v3, $0xF;
	v10 =	vand.u32 $0x1, v10  }
.LBB2_4:
0x56: {  	p0 =	sne.s32 s24, $0x5C00;
	[tilespmem:s23+$0x4520] =	vst v8;
	vm7 =	vgt.s32 v3, $0xFFFFFFFF;
	vm8 =	veq.s32 v10, v0;
	v8 =	vand.u32 $0x1C, v11;
	v10 =	vld [tilespmem:s23+$0x10F0]  }
0x57: {  	[tilespmem:s23+$0x2930] =	vst v7;
	v7 =	vnsel vm6, $0x0, v9;
	vm6 =	vmand vm7, vm8;
	v8 =	vshll.u32 v2, v8  }
0x58: {  	v3 =	vand.u32 $0xFFFF, v3;
	[tilespmem:s23+$0x4530] =	vst v4;
	v4 =	vnsel vm6, $0x0, v8;
	v8 =	vshrl.u32 v5, $0x10  }
0x59: {  	v9 =	vand.u32 $0xFFFF, v5;
	[tilespmem:s23+$0x2940] =	vst v6;
	v6 =	vand.u32 $0x1, v8;
	v8 =	vshrl.u32 v5, $0xF  }
0x5a: {  	vm6 =	vgt.s32 v5, $0xFFFFFFFF;
	[tilespmem:s23+$0x4540] =	vst v7;
	vm7 =	veq.s32 v6, v0;
	v5 =	vand.u32 $0x1C, v8  }
0x5b: {  	[tilespmem:s23+$0x2950] =	vst v3;
	vm6 =	vmand vm6, vm7;
	v3 =	vshll.u32 v2, v5;
	v5 =	vshrl.u32 v10, $0x10  }
0x5c: {  	[tilespmem:s23+$0x4550] =	vst v4;
	v3 =	vnsel vm6, $0x0, v3;
	v4 =	vand.u32 $0x1, v5;
	v5 =	vshrl.u32 v10, $0xF  }
0x5d: {  	vm6 =	vgt.s32 v10, $0xFFFFFFFF;
	[tilespmem:s23+$0x2960] =	vst v9;
	vm7 =	veq.s32 v4, v0;
	v4 =	vand.u32 $0x1C, v5  }
0x5e: {  	[tilespmem:s23+$0x4560] =	vst v3;
	vm6 =	vmand vm6, vm7;
	v3 =	vshll.u32 v2, v4;
	v4 =	vand.u32 $0xFFFF, v10  }
0x5f: {  	s25 =	sshra.s32 s24, $0x2;
	s26 =	sadd.s32 $0x2900, s23;
	s28 =	sadd.s32 $0x4500, s23;
	v3 =	vnsel vm6, $0x0, v3;
	[tilespmem:s23+$0x2970] =	vst v4  }
0x60: {  	[tilespmem:s23+$0x4570] =	vst v3;
	[spmem:s1] =	stream.indirect.scatter.add.s32 [tilespmem:s28], [sflag:$0x3], $0x1, s26, s14, $0xb8  }
0x61: {  	s23 =	smov.u32 s25;
	v3 =	vld [tilespmem:s25+$0x1080];
	_ =	sdelay $0x2  }
0x62: {  	v4 =	vld [tilespmem:s23+$0x1090];
	_ =	sdelay $0x1  }
0x63: {  	v5 =	vshrl.u32 v3, $0x10  }
0x64: {  	v6 =	vshrl.u32 v3, $0xF;
	v7 =	vand.u32 $0xFFFF, v3;
	v5 =	vand.u32 $0x1, v5  }
0x65: {  	vm6 =	vgt.s32 v3, $0xFFFFFFFF;
	v3 =	vand.u32 $0x1C, v6;
	vm7 =	veq.s32 v5, v0;
	v5 =	vld [tilespmem:s23+$0x10A0]  }
0x66: {  	v3 =	vshll.u32 v2, v3;
	vm6 =	vmand vm6, vm7;
	v6 =	vshrl.u32 v4, $0x10  }
0x67: {  	v9 =	vnsel vm6, $0x0, v3;
	v3 =	vand.u32 $0x1, v6;
	v6 =	vshrl.u32 v4, $0xF;
	v10 =	vld [tilespmem:s23+$0x10B0]  }
0x68: {  	vm6 =	vgt.s32 v4, $0xFFFFFFFF;
	vm7 =	veq.s32 v3, v0;
	v3 =	vand.u32 $0x1C, v6  }
0x69: {  	v11 =	vand.u32 $0xFFFF, v4;
	vm6 =	vmand vm6, vm7;
	v3 =	vshll.u32 v2, v3  }
0x6a: {  	v12 =	vnsel vm6, $0x0, v3;
	v3 =	vshrl.u32 v5, $0xF;
	v13 =	vand.u32 $0xFFFF, v5  }
0x6b: {  	vm6 =	vgt.s32 v5, $0xFFFFFFFF;
	v4 =	vshrl.u32 v5, $0x10;
	v3 =	vand.u32 $0x1C, v3  }
0x6c: {  	v4 =	vand.u32 $0x1, v4;
	v5 =	vshll.u32 v2, v3;
	v3 =	vshrl.u32 v10, $0x10;
	v14 =	vld [tilespmem:s23+$0x10C0]  }
0x6d: {  	vm7 =	veq.s32 v4, v0;
	v4 =	vshrl.u32 v10, $0xF;
	v3 =	vand.u32 $0x1, v3  }
0x6e: {  	vm8 =	vgt.s32 v10, $0xFFFFFFFF;
	v4 =	vand.u32 $0x1C, v4;
	vm9 =	veq.s32 v3, v0;
	v3 =	vld [tilespmem:s23+$0x10D0]  }
0x6f: {  	vm6 =	vmand vm6, vm7;
	v4 =	vshll.u32 v2, v4;
	vm7 =	vmand vm8, vm9  }
.Ltmp1:
0x70: {  	v8 =	vnsel vm6, $0x0, v5;
	[tilespmem:s23+$0x2900] =	vst v7;
	v4 =	vnsel vm7, $0x0, v4;
	v7 =	vand.u32 $0xFFFF, v10;
	(pc) =	sbr.rel @p0 .LBB2_4-.Ltmp1, $4  }
0x71: {  	[tilespmem:s23+$0x4500] =	vst v9;
	v5 =	vshrl.u32 v14, $0x10;
	v9 =	vshrl.u32 v14, $0xF;
	v6 =	vand.u32 $0xFFFF, v14  }
0x72: {  	vm6 =	vgt.s32 v14, $0xFFFFFFFF;
	[tilespmem:s23+$0x2910] =	vst v11;
	v10 =	vand.u32 $0x1, v5;
	v9 =	vand.u32 $0x1C, v9;
	v5 =	vld [tilespmem:s23+$0x10E0]  }
0x73: {  	[tilespmem:s23+$0x4510] =	vst v12;
	vm7 =	veq.s32 v10, v0;
	v9 =	vshll.u32 v2, v9;
	v10 =	vshrl.u32 v3, $0x10  }
0x74: {  	s24 =	sadd.s32 $0x200, s24;
	v11 =	vshrl.u32 v3, $0xF;
	[tilespmem:s23+$0x2920] =	vst v13;
	vm6 =	vmand vm6, vm7;
	v10 =	vand.u32 $0x1, v10  }
0x75: {  	[tilespmem:s23+$0x4520] =	vst v8;
	vm7 =	vgt.s32 v3, $0xFFFFFFFF;
	vm8 =	veq.s32 v10, v0;
	v18 =	vand.u32 $0x1C, v11;
	v19 =	vld [tilespmem:s23+$0x10F0]  }
0x76: {  	[tilespmem:s23+$0x2930] =	vst v7;
	v20 =	vnsel vm6, $0x0, v9;
	vm6 =	vmand vm7, vm8;
	v8 =	vshll.u32 v2, v18  }
0x77: {  	[tilespmem:s23+$0x4530] =	vst v4;
	v3 =	vand.u32 $0xFFFF, v3;
	v21 =	vnsel vm6, $0x0, v8;
	v22 =	vshrl.u32 v5, $0x10  }
0x78: {  	[tilespmem:s23+$0x2940] =	vst v6;
	v24 =	vshrl.u32 v5, $0xF;
	v25 =	vand.u32 $0xFFFF, v5;
	v23 =	vand.u32 $0x1, v22  }
0x79: {  	[tilespmem:s23+$0x4540] =	vst v20;
	vm6 =	vgt.s32 v5, $0xFFFFFFFF;
	v26 =	vand.u32 $0x1C, v24;
	vm7 =	veq.s32 v23, v0  }
0x7a: {  	[tilespmem:s23+$0x2950] =	vst v3;
	v3 =	vshll.u32 v2, v26;
	vm6 =	vmand vm6, vm7;
	v27 =	vshrl.u32 v19, $0x10  }
0x7b: {  	[tilespmem:s23+$0x4550] =	vst v21;
	v29 =	vshrl.u32 v19, $0xF;
	v3 =	vnsel vm6, $0x0, v3;
	v28 =	vand.u32 $0x1, v27  }
0x7c: {  	[tilespmem:s23+$0x2960] =	vst v25;
	vm6 =	vgt.s32 v19, $0xFFFFFFFF;
	v30 =	vand.u32 $0x1C, v29;
	vm7 =	veq.s32 v28, v0  }
0x7d: {  	v31 =	vand.u32 $0xFFFF, v19;
	[tilespmem:s23+$0x4560] =	vst v3;
	v3 =	vshll.u32 v2, v30;
	vm6 =	vmand vm6, vm7  }
0x7e: {  	[tilespmem:s23+$0x2970] =	vst v31;
	v3 =	vnsel vm6, $0x0, v3  }
0x7f: {  	s24 =	sadd.s32 $0x2900, s23;
	s25 =	sadd.s32 $0x4500, s23;
	[tilespmem:s23+$0x4570] =	vst v3  }
0x80: {  	[spmem:s1] =	stream.indirect.scatter.add.s32 [tilespmem:s25], [sflag:$0x3], $0x1, s24, s14, $0xb8;
	[tilespmem:$0x8080] =	vst v63  }
0x81: {  	v3 =	vld [tilespmem:$0x2800]  }
0x82: {  	v4 =	vld [tilespmem:$0x2810]  }
0x83: {  	v7 =	vld [tilespmem:$0x2820]  }
0x84: {  	v37 =	vld [tilespmem:$0x2830]  }
0x85: {  	v40 =	vld [tilespmem:$0x2840]  }
0x86: {  	v13 =	vld [tilespmem:$0x2850];
	v32 =	vshrl.u32 v3, $0x10  }
0x87: {  	v45 =	vld [tilespmem:$0x2860];
	v33 =	vshrl.u32 v3, $0xF;
	vm6 =	vgt.s32 v3, $0xFFFFFFFF;
	v35 =	vshrl.u32 v4, $0x10  }
0x88: {  	v52 =	vld [tilespmem:$0x2870];
	v3 =	vand.u32 $0xFFFF, v3;
	v36 =	vshrl.u32 v4, $0xF;
	v38 =	vshrl.u32 v7, $0x10  }
0x89: {  	v39 =	vshrl.u32 v7, $0xF;
	v42 =	vshrl.u32 v37, $0x10;
	v43 =	vshrl.u32 v37, $0xF  }
0x8a: {  	v12 =	vshrl.u32 v40, $0x10;
	v44 =	vshrl.u32 v40, $0xF;
	v47 =	vand.u32 $0xFFFF, v37  }
0x8b: {  	v48 =	vand.u32 $0xFFFF, v40;
	v49 =	vshrl.u32 v13, $0x10;
	v51 =	vshrl.u32 v13, $0xF  }
0x8c: {  	v54 =	vshrl.u32 v45, $0x10;
	v57 =	vand.u32 $0xFFFF, v13;
	v58 =	vshrl.u32 v45, $0xF  }
0x8d: {  	v60 =	vshrl.u32 v52, $0x10;
	v62 =	vand.u32 $0xFFFF, v45;
	v63 =	vand.u32 $0xFFFF, v52  }
0x8e: {  	v5 =	vand.u32 $0x1, v32;
	v34 =	vand.u32 $0x1C, v33;
	v6 =	vand.u32 $0x1, v35  }
0x8f: {  	v9 =	vand.u32 $0x1, v38;
	v41 =	vand.u32 $0x1C, v39;
	v10 =	vand.u32 $0x1, v42  }
0x90: {  	v12 =	vand.u32 $0x1, v12;
	v46 =	vand.u32 $0x1C, v44;
	v50 =	vand.u32 $0x1, v49  }
0x91: {  	v53 =	vand.u32 $0x1C, v51;
	v56 =	vand.u32 $0x1, v54;
	v59 =	vand.u32 $0x1C, v58  }
0x92: {  	vm7 =	veq.s32 v5, v0;
	v5 =	vshll.u32 v2, v34;
	vm14 =	veq.s32 v9, v0  }
0x93: {  	v9 =	vshll.u32 v2, v41;
	vm6 =	vmand vm6, vm7;
	vm7 =	veq.s32 v6, v0  }
0x94: {  	[tilespmem:$0x4080] =	vst v3;
	v6 =	vand.u32 $0x1C, v36;
	v5 =	vnsel vm6, $0x0, v5;
	vm6 =	vgt.s32 v4, $0xFFFFFFFF  }
0x95: {  	[tilespmem:$0x40B0] =	vst v47;
	v6 =	vshll.u32 v2, v6;
	vm6 =	vmand vm6, vm7;
	vm7 =	vgt.s32 v7, $0xFFFFFFFF  }
0x96: {  	[tilespmem:$0x40C0] =	vst v48;
	v6 =	vnsel vm6, $0x0, v6;
	vm6 =	vmand vm7, vm14;
	vm7 =	veq.s32 v10, v0  }
0x97: {  	[tilespmem:$0x40D0] =	vst v57;
	v10 =	vand.u32 $0x1C, v43;
	v9 =	vnsel vm6, $0x0, v9;
	vm6 =	vgt.s32 v37, $0xFFFFFFFF  }
0x98: {  	[tilespmem:$0x40E0] =	vst v62;
	v55 =	vshll.u32 v2, v53;
	v3 =	vshll.u32 v2, v10;
	vm6 =	vmand vm6, vm7  }
0x99: {  	[tilespmem:$0x40F0] =	vst v63;
	vm7 =	veq.s32 v12, v0;
	v3 =	vnsel vm6, $0x0, v3;
	vm6 =	vgt.s32 v40, $0xFFFFFFFF  }
0x9a: {  	v4 =	vand.u32 $0xFFFF, v4;
	[tilespmem:$0x5C80] =	vst v5;
	v5 =	vshll.u32 v2, v46;
	vm6 =	vmand vm6, vm7  }
0x9b: {  	[tilespmem:$0x4090] =	vst v4;
	vm7 =	veq.s32 v50, v0;
	v5 =	vnsel vm6, $0x0, v5;
	vm6 =	vgt.s32 v13, $0xFFFFFFFF  }
0x9c: {  	v7 =	vand.u32 $0xFFFF, v7;
	[tilespmem:$0x5C90] =	vst v6;
	v6 =	vand.u32 $0x1, v60;
	vm6 =	vmand vm6, vm7  }
0x9d: {  	[tilespmem:$0x5CB0] =	vst v3;
	vm7 =	veq.s32 v56, v0;
	v3 =	vnsel vm6, $0x0, v55;
	vm6 =	vgt.s32 v45, $0xFFFFFFFF  }
0x9e: {  	v61 =	vshll.u32 v2, v59;
	[tilespmem:$0x40A0] =	vst v7;
	vm15 =	veq.s32 v6, v0;
	vm6 =	vmand vm6, vm7  }
0x9f: {  	[tilespmem:$0x5CD0] =	vst v3;
	vm7 =	vgt.s32 v52, $0xFFFFFFFF;
	v3 =	vshrl.u32 v52, $0xF;
	vm6 =	vmand vm5, vm6  }
0xa0: {  	[tilespmem:$0x5CA0] =	vst v9;
	v3 =	vand.u32 $0x1C, v3;
	v4 =	vnsel vm6, $0x0, v61;
	vm6 =	vmand vm7, vm15  }
0xa1: {  	[tilespmem:$0x5CC0] =	vst v5;
	v3 =	vshll.u32 v2, v3;
	vm6 =	vmand vm4, vm6  }
0xa2: {  	[tilespmem:$0x5CE0] =	vst v4;
	v3 =	vnsel vm6, $0x0, v3  }
0xa3: {  	[tilespmem:$0x5CF0] =	vst v3  }
0xa4: {  	[spmem:s1] =	stream.indirect.scatter.add.s32 [tilespmem:s18], [sflag:$0x3], $0x1, s17, s14, $0xb8;
	[tilespmem:$0x8080] =	vst v63  }
0xa5: {  	_ =	swait.ge [sflag:s19], $0x80  }
0xa6: {  	s23 =	simm.s32 $0x30;
	[sflag:s19] =	ssyncset.done $0x0  }
.LBB2_6:
0xa7: {  	p0 =	sne.s32 s23, $0x1;
	s23 =	sadd.s32 $0xFFFFFFFF, s23;
	[sflag:s19] =	ssyncadd.s32 $0xFFFFFF80  }
.Ltmp2:
0xa8: {  	(pc) =	sbr.rel @p0 .LBB2_6-.Ltmp2, $3  }
0xa9: {  	_ =	sdelay $0x1  }
0xaa: {  	_ =	swait.ge [sflag:s19], $0x80  }
0xab: {  	[sflag:s19] =	ssyncset.done $0x0  }
0xac: {  	[sflag:s19] =	ssyncadd.s32 $0xFFFFFF80  }
0xad: {  	[bflag:$0x0] =	sbarrier.arrive $0xFFFF  }
0xae: {  	[tilespmem:s20], [sflag:$0x2] =	stream.linear.gather [spmem:s5], $0x800, $0x38;
	[tilespmem:$0x8080] =	vst v63  }
0xaf: {  	_ = 	snop  }
0xb0: {  	[tilespmem:s21], [sflag:$0x1] =	stream.linear.gather [spmem:s6], $0x800, $0x38;
	[tilespmem:$0x8080] =	vst v63  }
0xb1: {  	_ =	swait.ge [sflag:s12], $0x800  }
0xb2: {  	[sflag:s12] =	ssyncset.done $0x0  }
0xb3: {  	[sflag:s12] =	ssyncadd.s32 $0xFFFFF800  }
0xb4: {  	[hbm4b:s7+s3] =	stream.linear.scatter [tilespmem:s20], [sflag:$0x2], $0x800, $0x38;
	[tilespmem:$0x8080] =	vst v63  }
0xb5: {  	_ =	swait.ge [sflag:s13], $0x800  }
0xb6: {  	[sflag:s13] =	ssyncset.done $0x0  }
0xb7: {  	s22 =	sadd.s32 $0x1, s22;
	[sflag:s13] =	ssyncadd.s32 $0xFFFFF800  }
0xb8: {  	[hbm4b:s8+s3] =	stream.linear.scatter [tilespmem:s21], [sflag:$0x1], $0x800, $0x38;
	[tilespmem:$0x8080] =	vst v63  }
0xb9: {  	p0 =	sne.s32 s22, s9;
	_ =	swait.ge [sflag:s12], $0x800  }
.Ltmp3:
0xba: {  	[sflag:s12] =	ssyncset.done $0x0;
	(pc) =	sbr.rel @p0 .LBB2_1-.Ltmp3, $4  }
0xbb: {  	[sflag:s12] =	ssyncadd.s32 $0xFFFFF800  }
0xbc: {  	_ =	swait.ge [sflag:s13], $0x800  }
0xbd: {  	[sflag:s13] =	ssyncset.done $0x0  }
0xbe: {  	[sflag:s13] =	ssyncadd.s32 $0xFFFFF800  }
0xbf: {  	_ =	sfence.sel $0x180000  }
0xc0: {  	[bflag:$0x0] =	sbarrier.arrive $0xFFFF  }
0xc1: {  	p0 =	sne.s32 s2, $0x0;
	_ =	strace $0x90000047  }
0xc2: {  	s0 =	sadd.s32 @!p0 $0x100000, s0;
	[bflag:$0x2] =	sbarrier.arrive $0xFFFF  }
0xc3: {  	[sflag:s0] =	ssyncadd.tile.s32 @!p0 $0x1;
	_ =	shalt  }
.Lfunc_end2:
_tile_overlayer_lowered:
.L_overlay_start_2:
0xc4: {  	(tag) =	ssettag $0x2  }
0xc5: {  	s0 =	rddreg [dreg:$0x0];
	s2 =	stileid.u32  }
0xc6: {  	s1 =	rddreg [dreg:$0x1];
	p0 =	sne.s32 s2, $0x0  }
0xc7: {  	s3 =	rddreg [dreg:$0x2];
	[bflag:$0x3] =	sbarrier.arrive $0xFFFF;
	s2 =	simm.s32 @!p0 $0x1C04  }
0xc8: {  	[timem:s3], [sflag:s2] =	dma.local @!p0 [hbm:s0], s1  }
0xc9: {  	s0 =	simm.s32 @!p0 $0x4  }
0xca: {  	_ =	swait.ge @!p0 [sflag:s0], s1  }
0xcb: {  	s1 =	ssub.s32 @!p0 $0x0, s1;
	[sflag:s0] =	ssyncset.done @!p0 $0x0  }
0xcc: {  	[sflag:s0] =	ssyncadd.s32 @!p0 s1  }
0xcd: {  	[bflag:$0x3] =	sbarrier.arrive $0xFFFF  }
0xce: {  	_ =	shalt  }

</sc_bundles>
